<compile_context>
chip_gen: v7x
topology: tpu7x:2x2x1
jax: 0.10.2.dev20260603
libtpu: 0.0.44.dev20260713+nightly
codegen_flags: <defaults>
</compile_context>

<pallas_src>
import functools

import jax
import jax.numpy as jnp
from jax import lax
from jax.experimental import pallas as pl
from jax.experimental.pallas import tpu as pltpu
from jax.experimental.pallas import tpu_sc as plsc

_NUM_FIELDS = 26
_VOCAB = 100000
_EMBED_DIM = 16
_BATCH = 16384

_NC = 2
_NS = 16
_L = 16
_NW = _NC * _NS

_PLANES = _NUM_FIELDS * _EMBED_DIM
_PLANES_PER_W = _PLANES // _NW
_UNROLL = 32
_N_UNITS = _BATCH // (_UNROLL * _L)


_mesh = plsc.VectorSubcoreMesh(core_axis_name="c", subcore_axis_name="s")


@functools.partial(
    pl.kernel,
    mesh=_mesh,
    out_type=jax.ShapeDtypeStruct((_PLANES, _BATCH), jnp.int32),
    scratch_types=[
        pltpu.VMEM((_VOCAB,), jnp.float32),
        pltpu.VMEM((_BATCH,), jnp.int32),
        pltpu.SemaphoreType.DMA,
    ],
    compiler_params=pltpu.CompilerParams(
        use_tc_tiling_on_sc=True, needs_layout_passes=False
    ),
)
def _lookup_kernel(tab_hbm, idx_hbm, out_hbm, plane_v, buf_v, semp):
    wid = lax.axis_index("s") * _NC + lax.axis_index("c")
    fp0 = wid * _PLANES_PER_W

    def wait_plane(fp):
        pltpu.make_async_copy(tab_hbm.at[fp], plane_v, semp).wait()

    def gather_inplace(_, carry):
        j = carry
        base = j * (_UNROLL * _L)
        for u in range(_UNROLL):
            sl = pl.ds(base + u * _L, _L)
            val = plsc.load_gather(plane_v, [buf_v[sl]])
            buf_v[sl] = plsc.bitcast(val, jnp.int32)
        return j + 1

    pltpu.async_copy(tab_hbm.at[fp0], plane_v, semp)
    pltpu.sync_copy(idx_hbm.at[fp0 // _EMBED_DIM], buf_v)

    def plane_body(i, carry):
        fp = fp0 + i
        wait_plane(fp)
        lax.fori_loop(0, _N_UNITS, gather_inplace, 0)
        pltpu.async_copy(tab_hbm.at[fp + 1], plane_v, semp)
        pltpu.sync_copy(buf_v, out_hbm.at[fp])
        pltpu.sync_copy(idx_hbm.at[(fp + 1) // _EMBED_DIM], buf_v)
        return carry

    lax.fori_loop(0, _PLANES_PER_W - 1, plane_body, 0)
    fp_last = fp0 + _PLANES_PER_W - 1
    wait_plane(fp_last)
    lax.fori_loop(0, _N_UNITS, gather_inplace, 0)
    pltpu.sync_copy(buf_v, out_hbm.at[fp_last])


def kernel(inputs, tables):
    tab_t = jnp.transpose(tables, (0, 2, 1)).reshape(_PLANES, _VOCAB)
    idx_t = inputs.T.astype(jnp.int32)
    out_i = _lookup_kernel(tab_t, idx_t)
    out_t = lax.bitcast_convert_type(out_i, jnp.float32)
    return out_t.T.reshape(_BATCH, _PLANES)

# --- scband reference (transcript-rebuilt; emitter-appended) ---
"""Pipeline reference for scband-embed-layer-37168646980142 (READ-ONLY COPY).

The authoritative reference and input builder live on the scoring server;
editing this copy changes nothing except your own understanding.
"""

import jax, jax.numpy as jnp
import numpy as np

NUM_FIELDS = 26
VOCAB = 100000
EMBED_DIM = 16
BATCH = 16384


def setup_inputs(seed: int = 0) -> dict:
    key = jax.random.key(seed)
    k_idx, k_tab = jax.random.split(key)
    inputs = jax.random.randint(k_idx, (BATCH, NUM_FIELDS), 0, VOCAB, dtype=jnp.int64 if jax.config.read('jax_enable_x64') else jnp.int32)
    # One embedding table per sparse field (Keras creates NUM_FIELDS separate Embedding layers).
    # All tables have the same vocab here, so stack into [NUM_FIELDS, VOCAB, EMBED_DIM].
    tables = jax.random.normal(k_tab, (NUM_FIELDS, VOCAB, EMBED_DIM), dtype=jnp.float32) * 0.05
    return {"inputs": inputs, "tables": tables}


def reference(inputs, tables):
    # For each field i: emb_i = tables[i][inputs[:, i]]  -> [B, EMBED_DIM]
    # tf stacks along axis 0 -> [F, B, D], transpose(perm=[1,0,2]) -> [B, F, D]
    embs = [jnp.take(tables[i], inputs[:, i], axis=0) for i in range(NUM_FIELDS)]
    emb = jnp.stack(embs, axis=0)                 # [F, B, D]
    emb = jnp.transpose(emb, (1, 0, 2))           # [B, F, D]
    emb = jnp.reshape(emb, (-1, emb.shape[1] * emb.shape[2]))  # [B, F*D]
    return emb

if __name__ == "__main__":
    import jax
    _d = setup_inputs()
    print(jax.jit(kernel)(*tuple(_d.values())))

</pallas_src>

<mosaic_0001>
#map = affine_map<(d0, d1) -> (0, 0)>
module attributes {stable_mosaic.version = 14 : i64} {
  func.func @_lookup_kernel(%arg0: i32, %arg1: i32, %arg2: memref<416x100000xf32, #tpu.memory_space<hbm>>, %arg3: memref<26x16384xi32, #tpu.memory_space<hbm>>, %arg4: memref<416x16384xi32, #tpu.memory_space<hbm>>, %arg5: memref<100000xf32, #tpu.memory_space<vmem>>, %arg6: memref<16384xi32, #tpu.memory_space<vmem>>, %arg7: memref<!tpu.dma_semaphore, #tpu.memory_space<semaphore_mem>>) attributes {dimension_semantics = [#tpu.dimension_semantics<core_parallel>, #tpu.dimension_semantics<subcore_parallel>], iteration_bounds = array<i64: 2, 16>, scalar_prefetch = 0 : i64, scratch_operands = 3 : i64, tpu.core_type = #tpu.core_type<sc_vector_subcore>, window_params = [{transform_indices = #map}, {transform_indices = #map}, {transform_indices = #map}]} {
    %mul3A = arith.constant 2 : i32
    %mul3A_0 = arith.muli %arg1, %mul3A : i32
    %add3A = arith.addi %mul3A_0, %arg0 : i32
    %mul3A_1 = arith.constant 13 : i32
    %mul3A_2 = arith.muli %add3A, %mul3A_1 : i32
    %dma_start3A = arith.constant 0 : i32
    %dma_start3A_3 = tpu.memref_slice %arg2[%mul3A_2, %dma_start3A] : memref<416x100000xf32, #tpu.memory_space<hbm>> -> memref<1x100000xf32, #tpu.memory_space<hbm>>
    %dma_start3A_4 = tpu.memref_squeeze %dma_start3A_3 : memref<1x100000xf32, #tpu.memory_space<hbm>> -> memref<100000xf32, #tpu.memory_space<hbm>>
    %dma_start3A_5 = arith.constant 0 : i32
    %dma_start3A_6 = tpu.memref_slice %arg2[%mul3A_2, %dma_start3A_5] : memref<416x100000xf32, #tpu.memory_space<hbm>> -> memref<1x100000xf32, #tpu.memory_space<hbm>>
    %dma_start3A_7 = tpu.memref_squeeze %dma_start3A_6 : memref<1x100000xf32, #tpu.memory_space<hbm>> -> memref<100000xf32, #tpu.memory_space<hbm>>
    tpu.enqueue_dma source(%dma_start3A_7 : memref<100000xf32, #tpu.memory_space<hbm>>) target(%arg5 : memref<100000xf32, #tpu.memory_space<vmem>>) target_semaphore(%arg7 : memref<!tpu.dma_semaphore, #tpu.memory_space<semaphore_mem>>)
    %jit3A = arith.constant 16 : i32
    %div3A = arith.divsi %mul3A_2, %jit3A : i32
    %sign3A = arith.constant 0 : i32
    %sign3A_8 = arith.cmpi sgt, %mul3A_2, %sign3A : i32
    %sign3A_9 = arith.extui %sign3A_8 : i1 to i32
    %sign3A_10 = arith.constant 0 : i32
    %sign3A_11 = arith.cmpi slt, %mul3A_2, %sign3A_10 : i32
    %sign3A_12 = arith.extui %sign3A_11 : i1 to i32
    %sign3A_13 = arith.subi %sign3A_9, %sign3A_12 : i32
    %sign3A_14 = arith.constant 0 : i32
    %sign3A_15 = arith.cmpi sgt, %jit3A, %sign3A_14 : i32
    %sign3A_16 = arith.extui %sign3A_15 : i1 to i32
    %sign3A_17 = arith.constant 0 : i32
    %sign3A_18 = arith.cmpi slt, %jit3A, %sign3A_17 : i32
    %sign3A_19 = arith.extui %sign3A_18 : i1 to i32
    %sign3A_20 = arith.subi %sign3A_16, %sign3A_19 : i32
    %ne3A = arith.cmpi ne, %sign3A_13, %sign3A_20 : i32
    %rem3A = arith.remsi %mul3A_2, %jit3A : i32
    %ne3A_21 = arith.constant 0 : i32
    %ne3A_22 = arith.cmpi ne, %rem3A, %ne3A_21 : i32
    %and3A = arith.andi %ne3A, %ne3A_22 : i1
    %sub3A = arith.constant 1 : i32
    %sub3A_23 = arith.subi %div3A, %sub3A : i32
    %select_n3A = arith.select %and3A, %sub3A_23, %div3A : i32
    "tpu.region"() ({
      %run_scoped3A = tpu.sem_alloc : memref<!tpu.dma_semaphore, #tpu.memory_space<semaphore_mem>>
      %dma_start3A_45 = arith.constant 0 : i32
      %dma_start3A_46 = tpu.memref_slice %arg3[%select_n3A, %dma_start3A_45] : memref<26x16384xi32, #tpu.memory_space<hbm>> -> memref<1x16384xi32, #tpu.memory_space<hbm>>
      %dma_start3A_47 = tpu.memref_squeeze %dma_start3A_46 : memref<1x16384xi32, #tpu.memory_space<hbm>> -> memref<16384xi32, #tpu.memory_space<hbm>>
      %dma_start3A_48 = arith.constant 0 : i32
      %dma_start3A_49 = tpu.memref_slice %arg3[%select_n3A, %dma_start3A_48] : memref<26x16384xi32, #tpu.memory_space<hbm>> -> memref<1x16384xi32, #tpu.memory_space<hbm>>
      %dma_start3A_50 = tpu.memref_squeeze %dma_start3A_49 : memref<1x16384xi32, #tpu.memory_space<hbm>> -> memref<16384xi32, #tpu.memory_space<hbm>>
      tpu.enqueue_dma source(%dma_start3A_50 : memref<16384xi32, #tpu.memory_space<hbm>>) target(%arg6 : memref<16384xi32, #tpu.memory_space<vmem>>) target_semaphore(%run_scoped3A : memref<!tpu.dma_semaphore, #tpu.memory_space<semaphore_mem>>)
      %dma_wait3A_51 = arith.constant 0 : i32
      %dma_wait3A_52 = tpu.memref_slice %arg3[%select_n3A, %dma_wait3A_51] : memref<26x16384xi32, #tpu.memory_space<hbm>> -> memref<1x16384xi32, #tpu.memory_space<hbm>>
      %dma_wait3A_53 = tpu.memref_squeeze %dma_wait3A_52 : memref<1x16384xi32, #tpu.memory_space<hbm>> -> memref<16384xi32, #tpu.memory_space<hbm>>
      %dma_wait3A_54 = arith.constant 0 : i32
      %dma_wait3A_55 = tpu.memref_slice %arg3[%select_n3A, %dma_wait3A_54] : memref<26x16384xi32, #tpu.memory_space<hbm>> -> memref<1x16384xi32, #tpu.memory_space<hbm>>
      %dma_wait3A_56 = tpu.memref_squeeze %dma_wait3A_55 : memref<1x16384xi32, #tpu.memory_space<hbm>> -> memref<16384xi32, #tpu.memory_space<hbm>>
      tpu.wait_dma2 semaphore(%run_scoped3A : memref<!tpu.dma_semaphore, #tpu.memory_space<semaphore_mem>>) src(%dma_wait3A_56 : memref<16384xi32, #tpu.memory_space<hbm>>) dst(%arg6 : memref<16384xi32, #tpu.memory_space<vmem>>)
      tpu.yield
    }) : () -> ()
    %scan3A = arith.constant 0 : i32
    %scan3A_24 = arith.constant 0 : i32
    %scan3A_25 = arith.constant 12 : i32
    %scan3A_26 = arith.addi %scan3A_24, %scan3A_25 : i32
    %scan3A_27 = arith.constant 1 : i32
    scf.for %scan3A_45 = %scan3A_24 to %scan3A_26 step %scan3A_27  : i32 {
      %add3A_46 = arith.addi %mul3A_2, %scan3A_45 : i32
      %dma_wait3A_47 = arith.constant 0 : i32
      %dma_wait3A_48 = tpu.memref_slice %arg2[%add3A_46, %dma_wait3A_47] : memref<416x100000xf32, #tpu.memory_space<hbm>> -> memref<1x100000xf32, #tpu.memory_space<hbm>>
      %dma_wait3A_49 = tpu.memref_squeeze %dma_wait3A_48 : memref<1x100000xf32, #tpu.memory_space<hbm>> -> memref<100000xf32, #tpu.memory_space<hbm>>
      %dma_wait3A_50 = arith.constant 0 : i32
      %dma_wait3A_51 = tpu.memref_slice %arg2[%add3A_46, %dma_wait3A_50] : memref<416x100000xf32, #tpu.memory_space<hbm>> -> memref<1x100000xf32, #tpu.memory_space<hbm>>
      %dma_wait3A_52 = tpu.memref_squeeze %dma_wait3A_51 : memref<1x100000xf32, #tpu.memory_space<hbm>> -> memref<100000xf32, #tpu.memory_space<hbm>>
      tpu.wait_dma2 semaphore(%arg7 : memref<!tpu.dma_semaphore, #tpu.memory_space<semaphore_mem>>) src(%dma_wait3A_52 : memref<100000xf32, #tpu.memory_space<hbm>>) dst(%arg5 : memref<100000xf32, #tpu.memory_space<vmem>>)
      %scan3A_53 = arith.constant 0 : i32
      %scan3A_54 = arith.constant 0 : i32
      %scan3A_55 = arith.constant 32 : i32
      %scan3A_56 = arith.addi %scan3A_54, %scan3A_55 : i32
      %scan3A_57 = arith.constant 1 : i32
      %scan3A_58 = scf.for %scan3A_94 = %scan3A_54 to %scan3A_56 step %scan3A_57 iter_args(%scan3A_95 = %scan3A_53) -> (i32)  : i32 {
        %mul3A_96 = arith.constant 512 : i32
        %mul3A_97 = arith.muli %scan3A_95, %mul3A_96 : i32
        %add3A_98 = arith.constant 0 : i32
        %add3A_99 = arith.addi %mul3A_97, %add3A_98 : i32
        %get3A = arith.index_cast %add3A_99 : i32 to index
        %get3A_100 = tpu.vector_load %arg6[%get3A] {strides = array<i32>} : memref<16384xi32, #tpu.memory_space<vmem>>, vector<16xi32>,
        %gather3A = tpu.vector_load_idx %arg5[%get3A_100] : memref<100000xf32, #tpu.memory_space<vmem>>[vector<16xi32>], vector<16xf32>,
        %bitcast3A = vector.bitcast %gather3A : vector<16xf32> to vector<16xi32>
        %swap3A = arith.index_cast %add3A_99 : i32 to index
        %swap3A_101 = tpu.vector_load %arg6[%swap3A] {strides = array<i32>} : memref<16384xi32, #tpu.memory_space<vmem>>, vector<16xi32>,
        tpu.vector_store %arg6[%swap3A], %bitcast3A {strides = array<i32>} : memref<16384xi32, #tpu.memory_space<vmem>>, vector<16xi32>,
        %add3A_102 = arith.constant 16 : i32
        %add3A_103 = arith.addi %mul3A_97, %add3A_102 : i32
        %get3A_104 = arith.index_cast %add3A_103 : i32 to index
        %get3A_105 = tpu.vector_load %arg6[%get3A_104] {strides = array<i32>} : memref<16384xi32, #tpu.memory_space<vmem>>, vector<16xi32>,
        %gather3A_106 = tpu.vector_load_idx %arg5[%get3A_105] : memref<100000xf32, #tpu.memory_space<vmem>>[vector<16xi32>], vector<16xf32>,
        %bitcast3A_107 = vector.bitcast %gather3A_106 : vector<16xf32> to vector<16xi32>
        %swap3A_108 = arith.index_cast %add3A_103 : i32 to index
        %swap3A_109 = tpu.vector_load %arg6[%swap3A_108] {strides = array<i32>} : memref<16384xi32, #tpu.memory_space<vmem>>, vector<16xi32>,
        tpu.vector_store %arg6[%swap3A_108], %bitcast3A_107 {strides = array<i32>} : memref<16384xi32, #tpu.memory_space<vmem>>, vector<16xi32>,
        %add3A_110 = arith.constant 32 : i32
        %add3A_111 = arith.addi %mul3A_97, %add3A_110 : i32
        %get3A_112 = arith.index_cast %add3A_111 : i32 to index
        %get3A_113 = tpu.vector_load %arg6[%get3A_112] {strides = array<i32>} : memref<16384xi32, #tpu.memory_space<vmem>>, vector<16xi32>,
        %gather3A_114 = tpu.vector_load_idx %arg5[%get3A_113] : memref<100000xf32, #tpu.memory_space<vmem>>[vector<16xi32>], vector<16xf32>,
        %bitcast3A_115 = vector.bitcast %gather3A_114 : vector<16xf32> to vector<16xi32>
        %swap3A_116 = arith.index_cast %add3A_111 : i32 to index
        %swap3A_117 = tpu.vector_load %arg6[%swap3A_116] {strides = array<i32>} : memref<16384xi32, #tpu.memory_space<vmem>>, vector<16xi32>,
        tpu.vector_store %arg6[%swap3A_116], %bitcast3A_115 {strides = array<i32>} : memref<16384xi32, #tpu.memory_space<vmem>>, vector<16xi32>,
        %add3A_118 = arith.constant 48 : i32
        %add3A_119 = arith.addi %mul3A_97, %add3A_118 : i32
        %get3A_120 = arith.index_cast %add3A_119 : i32 to index
        %get3A_121 = tpu.vector_load %arg6[%get3A_120] {strides = array<i32>} : memref<16384xi32, #tpu.memory_space<vmem>>, vector<16xi32>,
        %gather3A_122 = tpu.vector_load_idx %arg5[%get3A_121] : memref<100000xf32, #tpu.memory_space<vmem>>[vector<16xi32>], vector<16xf32>,
        %bitcast3A_123 = vector.bitcast %gather3A_122 : vector<16xf32> to vector<16xi32>
        %swap3A_124 = arith.index_cast %add3A_119 : i32 to index
        %swap3A_125 = tpu.vector_load %arg6[%swap3A_124] {strides = array<i32>} : memref<16384xi32, #tpu.memory_space<vmem>>, vector<16xi32>,
        tpu.vector_store %arg6[%swap3A_124], %bitcast3A_123 {strides = array<i32>} : memref<16384xi32, #tpu.memory_space<vmem>>, vector<16xi32>,
        %add3A_126 = arith.constant 64 : i32
        %add3A_127 = arith.addi %mul3A_97, %add3A_126 : i32
        %get3A_128 = arith.index_cast %add3A_127 : i32 to index
        %get3A_129 = tpu.vector_load %arg6[%get3A_128] {strides = array<i32>} : memref<16384xi32, #tpu.memory_space<vmem>>, vector<16xi32>,
        %gather3A_130 = tpu.vector_load_idx %arg5[%get3A_129] : memref<100000xf32, #tpu.memory_space<vmem>>[vector<16xi32>], vector<16xf32>,
        %bitcast3A_131 = vector.bitcast %gather3A_130 : vector<16xf32> to vector<16xi32>
        %swap3A_132 = arith.index_cast %add3A_127 : i32 to index
        %swap3A_133 = tpu.vector_load %arg6[%swap3A_132] {strides = array<i32>} : memref<16384xi32, #tpu.memory_space<vmem>>, vector<16xi32>,
        tpu.vector_store %arg6[%swap3A_132], %bitcast3A_131 {strides = array<i32>} : memref<16384xi32, #tpu.memory_space<vmem>>, vector<16xi32>,
        %add3A_134 = arith.constant 80 : i32
        %add3A_135 = arith.addi %mul3A_97, %add3A_134 : i32
        %get3A_136 = arith.index_cast %add3A_135 : i32 to index
        %get3A_137 = tpu.vector_load %arg6[%get3A_136] {strides = array<i32>} : memref<16384xi32, #tpu.memory_space<vmem>>, vector<16xi32>,
        %gather3A_138 = tpu.vector_load_idx %arg5[%get3A_137] : memref<100000xf32, #tpu.memory_space<vmem>>[vector<16xi32>], vector<16xf32>,
        %bitcast3A_139 = vector.bitcast %gather3A_138 : vector<16xf32> to vector<16xi32>
        %swap3A_140 = arith.index_cast %add3A_135 : i32 to index
        %swap3A_141 = tpu.vector_load %arg6[%swap3A_140] {strides = array<i32>} : memref<16384xi32, #tpu.memory_space<vmem>>, vector<16xi32>,
        tpu.vector_store %arg6[%swap3A_140], %bitcast3A_139 {strides = array<i32>} : memref<16384xi32, #tpu.memory_space<vmem>>, vector<16xi32>,
        %add3A_142 = arith.constant 96 : i32
        %add3A_143 = arith.addi %mul3A_97, %add3A_142 : i32
        %get3A_144 = arith.index_cast %add3A_143 : i32 to index
        %get3A_145 = tpu.vector_load %arg6[%get3A_144] {strides = array<i32>} : memref<16384xi32, #tpu.memory_space<vmem>>, vector<16xi32>,
        %gather3A_146 = tpu.vector_load_idx %arg5[%get3A_145] : memref<100000xf32, #tpu.memory_space<vmem>>[vector<16xi32>], vector<16xf32>,
        %bitcast3A_147 = vector.bitcast %gather3A_146 : vector<16xf32> to vector<16xi32>
        %swap3A_148 = arith.index_cast %add3A_143 : i32 to index
        %swap3A_149 = tpu.vector_load %arg6[%swap3A_148] {strides = array<i32>} : memref<16384xi32, #tpu.memory_space<vmem>>, vector<16xi32>,
        tpu.vector_store %arg6[%swap3A_148], %bitcast3A_147 {strides = array<i32>} : memref<16384xi32, #tpu.memory_space<vmem>>, vector<16xi32>,
        %add3A_150 = arith.constant 112 : i32
        %add3A_151 = arith.addi %mul3A_97, %add3A_150 : i32
        %get3A_152 = arith.index_cast %add3A_151 : i32 to index
        %get3A_153 = tpu.vector_load %arg6[%get3A_152] {strides = array<i32>} : memref<16384xi32, #tpu.memory_space<vmem>>, vector<16xi32>,
        %gather3A_154 = tpu.vector_load_idx %arg5[%get3A_153] : memref<100000xf32, #tpu.memory_space<vmem>>[vector<16xi32>], vector<16xf32>,
        %bitcast3A_155 = vector.bitcast %gather3A_154 : vector<16xf32> to vector<16xi32>
        %swap3A_156 = arith.index_cast %add3A_151 : i32 to index
        %swap3A_157 = tpu.vector_load %arg6[%swap3A_156] {strides = array<i32>} : memref<16384xi32, #tpu.memory_space<vmem>>, vector<16xi32>,
        tpu.vector_store %arg6[%swap3A_156], %bitcast3A_155 {strides = array<i32>} : memref<16384xi32, #tpu.memory_space<vmem>>, vector<16xi32>,
        %add3A_158 = arith.constant 128 : i32
        %add3A_159 = arith.addi %mul3A_97, %add3A_158 : i32
        %get3A_160 = arith.index_cast %add3A_159 : i32 to index
        %get3A_161 = tpu.vector_load %arg6[%get3A_160] {strides = array<i32>} : memref<16384xi32, #tpu.memory_space<vmem>>, vector<16xi32>,
        %gather3A_162 = tpu.vector_load_idx %arg5[%get3A_161] : memref<100000xf32, #tpu.memory_space<vmem>>[vector<16xi32>], vector<16xf32>,
        %bitcast3A_163 = vector.bitcast %gather3A_162 : vector<16xf32> to vector<16xi32>
        %swap3A_164 = arith.index_cast %add3A_159 : i32 to index
        %swap3A_165 = tpu.vector_load %arg6[%swap3A_164] {strides = array<i32>} : memref<16384xi32, #tpu.memory_space<vmem>>, vector<16xi32>,
        tpu.vector_store %arg6[%swap3A_164], %bitcast3A_163 {strides = array<i32>} : memref<16384xi32, #tpu.memory_space<vmem>>, vector<16xi32>,
        %add3A_166 = arith.constant 144 : i32
        %add3A_167 = arith.addi %mul3A_97, %add3A_166 : i32
        %get3A_168 = arith.index_cast %add3A_167 : i32 to index
        %get3A_169 = tpu.vector_load %arg6[%get3A_168] {strides = array<i32>} : memref<16384xi32, #tpu.memory_space<vmem>>, vector<16xi32>,
        %gather3A_170 = tpu.vector_load_idx %arg5[%get3A_169] : memref<100000xf32, #tpu.memory_space<vmem>>[vector<16xi32>], vector<16xf32>,
        %bitcast3A_171 = vector.bitcast %gather3A_170 : vector<16xf32> to vector<16xi32>
        %swap3A_172 = arith.index_cast %add3A_167 : i32 to index
        %swap3A_173 = tpu.vector_load %arg6[%swap3A_172] {strides = array<i32>} : memref<16384xi32, #tpu.memory_space<vmem>>, vector<16xi32>,
        tpu.vector_store %arg6[%swap3A_172], %bitcast3A_171 {strides = array<i32>} : memref<16384xi32, #tpu.memory_space<vmem>>, vector<16xi32>,
        %add3A_174 = arith.constant 160 : i32
        %add3A_175 = arith.addi %mul3A_97, %add3A_174 : i32
        %get3A_176 = arith.index_cast %add3A_175 : i32 to index
        %get3A_177 = tpu.vector_load %arg6[%get3A_176] {strides = array<i32>} : memref<16384xi32, #tpu.memory_space<vmem>>, vector<16xi32>,
        %gather3A_178 = tpu.vector_load_idx %arg5[%get3A_177] : memref<100000xf32, #tpu.memory_space<vmem>>[vector<16xi32>], vector<16xf32>,
        %bitcast3A_179 = vector.bitcast %gather3A_178 : vector<16xf32> to vector<16xi32>
        %swap3A_180 = arith.index_cast %add3A_175 : i32 to index
        %swap3A_181 = tpu.vector_load %arg6[%swap3A_180] {strides = array<i32>} : memref<16384xi32, #tpu.memory_space<vmem>>, vector<16xi32>,
        tpu.vector_store %arg6[%swap3A_180], %bitcast3A_179 {strides = array<i32>} : memref<16384xi32, #tpu.memory_space<vmem>>, vector<16xi32>,
        %add3A_182 = arith.constant 176 : i32
        %add3A_183 = arith.addi %mul3A_97, %add3A_182 : i32
        %get3A_184 = arith.index_cast %add3A_183 : i32 to index
        %get3A_185 = tpu.vector_load %arg6[%get3A_184] {strides = array<i32>} : memref<16384xi32, #tpu.memory_space<vmem>>, vector<16xi32>,
        %gather3A_186 = tpu.vector_load_idx %arg5[%get3A_185] : memref<100000xf32, #tpu.memory_space<vmem>>[vector<16xi32>], vector<16xf32>,
        %bitcast3A_187 = vector.bitcast %gather3A_186 : vector<16xf32> to vector<16xi32>
        %swap3A_188 = arith.index_cast %add3A_183 : i32 to index
        %swap3A_189 = tpu.vector_load %arg6[%swap3A_188] {strides = array<i32>} : memref<16384xi32, #tpu.memory_space<vmem>>, vector<16xi32>,
        tpu.vector_store %arg6[%swap3A_188], %bitcast3A_187 {strides = array<i32>} : memref<16384xi32, #tpu.memory_space<vmem>>, vector<16xi32>,
        %add3A_190 = arith.constant 192 : i32
        %add3A_191 = arith.addi %mul3A_97, %add3A_190 : i32
        %get3A_192 = arith.index_cast %add3A_191 : i32 to index
        %get3A_193 = tpu.vector_load %arg6[%get3A_192] {strides = array<i32>} : memref<16384xi32, #tpu.memory_space<vmem>>, vector<16xi32>,
        %gather3A_194 = tpu.vector_load_idx %arg5[%get3A_193] : memref<100000xf32, #tpu.memory_space<vmem>>[vector<16xi32>], vector<16xf32>,
        %bitcast3A_195 = vector.bitcast %gather3A_194 : vector<16xf32> to vector<16xi32>
        %swap3A_196 = arith.index_cast %add3A_191 : i32 to index
        %swap3A_197 = tpu.vector_load %arg6[%swap3A_196] {strides = array<i32>} : memref<16384xi32, #tpu.memory_space<vmem>>, vector<16xi32>,
        tpu.vector_store %arg6[%swap3A_196], %bitcast3A_195 {strides = array<i32>} : memref<16384xi32, #tpu.memory_space<vmem>>, vector<16xi32>,
        %add3A_198 = arith.constant 208 : i32
        %add3A_199 = arith.addi %mul3A_97, %add3A_198 : i32
        %get3A_200 = arith.index_cast %add3A_199 : i32 to index
        %get3A_201 = tpu.vector_load %arg6[%get3A_200] {strides = array<i32>} : memref<16384xi32, #tpu.memory_space<vmem>>, vector<16xi32>,
        %gather3A_202 = tpu.vector_load_idx %arg5[%get3A_201] : memref<100000xf32, #tpu.memory_space<vmem>>[vector<16xi32>], vector<16xf32>,
        %bitcast3A_203 = vector.bitcast %gather3A_202 : vector<16xf32> to vector<16xi32>
        %swap3A_204 = arith.index_cast %add3A_199 : i32 to index
        %swap3A_205 = tpu.vector_load %arg6[%swap3A_204] {strides = array<i32>} : memref<16384xi32, #tpu.memory_space<vmem>>, vector<16xi32>,
        tpu.vector_store %arg6[%swap3A_204], %bitcast3A_203 {strides = array<i32>} : memref<16384xi32, #tpu.memory_space<vmem>>, vector<16xi32>,
        %add3A_206 = arith.constant 224 : i32
        %add3A_207 = arith.addi %mul3A_97, %add3A_206 : i32
        %get3A_208 = arith.index_cast %add3A_207 : i32 to index
        %get3A_209 = tpu.vector_load %arg6[%get3A_208] {strides = array<i32>} : memref<16384xi32, #tpu.memory_space<vmem>>, vector<16xi32>,
        %gather3A_210 = tpu.vector_load_idx %arg5[%get3A_209] : memref<100000xf32, #tpu.memory_space<vmem>>[vector<16xi32>], vector<16xf32>,
        %bitcast3A_211 = vector.bitcast %gather3A_210 : vector<16xf32> to vector<16xi32>
        %swap3A_212 = arith.index_cast %add3A_207 : i32 to index
        %swap3A_213 = tpu.vector_load %arg6[%swap3A_212] {strides = array<i32>} : memref<16384xi32, #tpu.memory_space<vmem>>, vector<16xi32>,
        tpu.vector_store %arg6[%swap3A_212], %bitcast3A_211 {strides = array<i32>} : memref<16384xi32, #tpu.memory_space<vmem>>, vector<16xi32>,
        %add3A_214 = arith.constant 240 : i32
        %add3A_215 = arith.addi %mul3A_97, %add3A_214 : i32
        %get3A_216 = arith.index_cast %add3A_215 : i32 to index
        %get3A_217 = tpu.vector_load %arg6[%get3A_216] {strides = array<i32>} : memref<16384xi32, #tpu.memory_space<vmem>>, vector<16xi32>,
        %gather3A_218 = tpu.vector_load_idx %arg5[%get3A_217] : memref<100000xf32, #tpu.memory_space<vmem>>[vector<16xi32>], vector<16xf32>,
        %bitcast3A_219 = vector.bitcast %gather3A_218 : vector<16xf32> to vector<16xi32>
        %swap3A_220 = arith.index_cast %add3A_215 : i32 to index
        %swap3A_221 = tpu.vector_load %arg6[%swap3A_220] {strides = array<i32>} : memref<16384xi32, #tpu.memory_space<vmem>>, vector<16xi32>,
        tpu.vector_store %arg6[%swap3A_220], %bitcast3A_219 {strides = array<i32>} : memref<16384xi32, #tpu.memory_space<vmem>>, vector<16xi32>,
        %add3A_222 = arith.constant 256 : i32
        %add3A_223 = arith.addi %mul3A_97, %add3A_222 : i32
        %get3A_224 = arith.index_cast %add3A_223 : i32 to index
        %get3A_225 = tpu.vector_load %arg6[%get3A_224] {strides = array<i32>} : memref<16384xi32, #tpu.memory_space<vmem>>, vector<16xi32>,
        %gather3A_226 = tpu.vector_load_idx %arg5[%get3A_225] : memref<100000xf32, #tpu.memory_space<vmem>>[vector<16xi32>], vector<16xf32>,
        %bitcast3A_227 = vector.bitcast %gather3A_226 : vector<16xf32> to vector<16xi32>
        %swap3A_228 = arith.index_cast %add3A_223 : i32 to index
        %swap3A_229 = tpu.vector_load %arg6[%swap3A_228] {strides = array<i32>} : memref<16384xi32, #tpu.memory_space<vmem>>, vector<16xi32>,
        tpu.vector_store %arg6[%swap3A_228], %bitcast3A_227 {strides = array<i32>} : memref<16384xi32, #tpu.memory_space<vmem>>, vector<16xi32>,
        %add3A_230 = arith.constant 272 : i32
        %add3A_231 = arith.addi %mul3A_97, %add3A_230 : i32
        %get3A_232 = arith.index_cast %add3A_231 : i32 to index
        %get3A_233 = tpu.vector_load %arg6[%get3A_232] {strides = array<i32>} : memref<16384xi32, #tpu.memory_space<vmem>>, vector<16xi32>,
        %gather3A_234 = tpu.vector_load_idx %arg5[%get3A_233] : memref<100000xf32, #tpu.memory_space<vmem>>[vector<16xi32>], vector<16xf32>,
        %bitcast3A_235 = vector.bitcast %gather3A_234 : vector<16xf32> to vector<16xi32>
        %swap3A_236 = arith.index_cast %add3A_231 : i32 to index
        %swap3A_237 = tpu.vector_load %arg6[%swap3A_236] {strides = array<i32>} : memref<16384xi32, #tpu.memory_space<vmem>>, vector<16xi32>,
        tpu.vector_store %arg6[%swap3A_236], %bitcast3A_235 {strides = array<i32>} : memref<16384xi32, #tpu.memory_space<vmem>>, vector<16xi32>,
        %add3A_238 = arith.constant 288 : i32
        %add3A_239 = arith.addi %mul3A_97, %add3A_238 : i32
        %get3A_240 = arith.index_cast %add3A_239 : i32 to index
        %get3A_241 = tpu.vector_load %arg6[%get3A_240] {strides = array<i32>} : memref<16384xi32, #tpu.memory_space<vmem>>, vector<16xi32>,
        %gather3A_242 = tpu.vector_load_idx %arg5[%get3A_241] : memref<100000xf32, #tpu.memory_space<vmem>>[vector<16xi32>], vector<16xf32>,
        %bitcast3A_243 = vector.bitcast %gather3A_242 : vector<16xf32> to vector<16xi32>
        %swap3A_244 = arith.index_cast %add3A_239 : i32 to index
        %swap3A_245 = tpu.vector_load %arg6[%swap3A_244] {strides = array<i32>} : memref<16384xi32, #tpu.memory_space<vmem>>, vector<16xi32>,
        tpu.vector_store %arg6[%swap3A_244], %bitcast3A_243 {strides = array<i32>} : memref<16384xi32, #tpu.memory_space<vmem>>, vector<16xi32>,
        %add3A_246 = arith.constant 304 : i32
        %add3A_247 = arith.addi %mul3A_97, %add3A_246 : i32
        %get3A_248 = arith.index_cast %add3A_247 : i32 to index
        %get3A_249 = tpu.vector_load %arg6[%get3A_248] {strides = array<i32>} : memref<16384xi32, #tpu.memory_space<vmem>>, vector<16xi32>,
        %gather3A_250 = tpu.vector_load_idx %arg5[%get3A_249] : memref<100000xf32, #tpu.memory_space<vmem>>[vector<16xi32>], vector<16xf32>,
        %bitcast3A_251 = vector.bitcast %gather3A_250 : vector<16xf32> to vector<16xi32>
        %swap3A_252 = arith.index_cast %add3A_247 : i32 to index
        %swap3A_253 = tpu.vector_load %arg6[%swap3A_252] {strides = array<i32>} : memref<16384xi32, #tpu.memory_space<vmem>>, vector<16xi32>,
        tpu.vector_store %arg6[%swap3A_252], %bitcast3A_251 {strides = array<i32>} : memref<16384xi32, #tpu.memory_space<vmem>>, vector<16xi32>,
        %add3A_254 = arith.constant 320 : i32
        %add3A_255 = arith.addi %mul3A_97, %add3A_254 : i32
        %get3A_256 = arith.index_cast %add3A_255 : i32 to index
        %get3A_257 = tpu.vector_load %arg6[%get3A_256] {strides = array<i32>} : memref<16384xi32, #tpu.memory_space<vmem>>, vector<16xi32>,
        %gather3A_258 = tpu.vector_load_idx %arg5[%get3A_257] : memref<100000xf32, #tpu.memory_space<vmem>>[vector<16xi32>], vector<16xf32>,
        %bitcast3A_259 = vector.bitcast %gather3A_258 : vector<16xf32> to vector<16xi32>
        %swap3A_260 = arith.index_cast %add3A_255 : i32 to index
        %swap3A_261 = tpu.vector_load %arg6[%swap3A_260] {strides = array<i32>} : memref<16384xi32, #tpu.memory_space<vmem>>, vector<16xi32>,
        tpu.vector_store %arg6[%swap3A_260], %bitcast3A_259 {strides = array<i32>} : memref<16384xi32, #tpu.memory_space<vmem>>, vector<16xi32>,
        %add3A_262 = arith.constant 336 : i32
        %add3A_263 = arith.addi %mul3A_97, %add3A_262 : i32
        %get3A_264 = arith.index_cast %add3A_263 : i32 to index
        %get3A_265 = tpu.vector_load %arg6[%get3A_264] {strides = array<i32>} : memref<16384xi32, #tpu.memory_space<vmem>>, vector<16xi32>,
        %gather3A_266 = tpu.vector_load_idx %arg5[%get3A_265] : memref<100000xf32, #tpu.memory_space<vmem>>[vector<16xi32>], vector<16xf32>,
        %bitcast3A_267 = vector.bitcast %gather3A_266 : vector<16xf32> to vector<16xi32>
        %swap3A_268 = arith.index_cast %add3A_263 : i32 to index
        %swap3A_269 = tpu.vector_load %arg6[%swap3A_268] {strides = array<i32>} : memref<16384xi32, #tpu.memory_space<vmem>>, vector<16xi32>,
        tpu.vector_store %arg6[%swap3A_268], %bitcast3A_267 {strides = array<i32>} : memref<16384xi32, #tpu.memory_space<vmem>>, vector<16xi32>,
        %add3A_270 = arith.constant 352 : i32
        %add3A_271 = arith.addi %mul3A_97, %add3A_270 : i32
        %get3A_272 = arith.index_cast %add3A_271 : i32 to index
        %get3A_273 = tpu.vector_load %arg6[%get3A_272] {strides = array<i32>} : memref<16384xi32, #tpu.memory_space<vmem>>, vector<16xi32>,
        %gather3A_274 = tpu.vector_load_idx %arg5[%get3A_273] : memref<100000xf32, #tpu.memory_space<vmem>>[vector<16xi32>], vector<16xf32>,
        %bitcast3A_275 = vector.bitcast %gather3A_274 : vector<16xf32> to vector<16xi32>
        %swap3A_276 = arith.index_cast %add3A_271 : i32 to index
        %swap3A_277 = tpu.vector_load %arg6[%swap3A_276] {strides = array<i32>} : memref<16384xi32, #tpu.memory_space<vmem>>, vector<16xi32>,
        tpu.vector_store %arg6[%swap3A_276], %bitcast3A_275 {strides = array<i32>} : memref<16384xi32, #tpu.memory_space<vmem>>, vector<16xi32>,
        %add3A_278 = arith.constant 368 : i32
        %add3A_279 = arith.addi %mul3A_97, %add3A_278 : i32
        %get3A_280 = arith.index_cast %add3A_279 : i32 to index
        %get3A_281 = tpu.vector_load %arg6[%get3A_280] {strides = array<i32>} : memref<16384xi32, #tpu.memory_space<vmem>>, vector<16xi32>,
        %gather3A_282 = tpu.vector_load_idx %arg5[%get3A_281] : memref<100000xf32, #tpu.memory_space<vmem>>[vector<16xi32>], vector<16xf32>,
        %bitcast3A_283 = vector.bitcast %gather3A_282 : vector<16xf32> to vector<16xi32>
        %swap3A_284 = arith.index_cast %add3A_279 : i32 to index
        %swap3A_285 = tpu.vector_load %arg6[%swap3A_284] {strides = array<i32>} : memref<16384xi32, #tpu.memory_space<vmem>>, vector<16xi32>,
        tpu.vector_store %arg6[%swap3A_284], %bitcast3A_283 {strides = array<i32>} : memref<16384xi32, #tpu.memory_space<vmem>>, vector<16xi32>,
        %add3A_286 = arith.constant 384 : i32
        %add3A_287 = arith.addi %mul3A_97, %add3A_286 : i32
        %get3A_288 = arith.index_cast %add3A_287 : i32 to index
        %get3A_289 = tpu.vector_load %arg6[%get3A_288] {strides = array<i32>} : memref<16384xi32, #tpu.memory_space<vmem>>, vector<16xi32>,
        %gather3A_290 = tpu.vector_load_idx %arg5[%get3A_289] : memref<100000xf32, #tpu.memory_space<vmem>>[vector<16xi32>], vector<16xf32>,
        %bitcast3A_291 = vector.bitcast %gather3A_290 : vector<16xf32> to vector<16xi32>
        %swap3A_292 = arith.index_cast %add3A_287 : i32 to index
        %swap3A_293 = tpu.vector_load %arg6[%swap3A_292] {strides = array<i32>} : memref<16384xi32, #tpu.memory_space<vmem>>, vector<16xi32>,
        tpu.vector_store %arg6[%swap3A_292], %bitcast3A_291 {strides = array<i32>} : memref<16384xi32, #tpu.memory_space<vmem>>, vector<16xi32>,
        %add3A_294 = arith.constant 400 : i32
        %add3A_295 = arith.addi %mul3A_97, %add3A_294 : i32
        %get3A_296 = arith.index_cast %add3A_295 : i32 to index
        %get3A_297 = tpu.vector_load %arg6[%get3A_296] {strides = array<i32>} : memref<16384xi32, #tpu.memory_space<vmem>>, vector<16xi32>,
        %gather3A_298 = tpu.vector_load_idx %arg5[%get3A_297] : memref<100000xf32, #tpu.memory_space<vmem>>[vector<16xi32>], vector<16xf32>,
        %bitcast3A_299 = vector.bitcast %gather3A_298 : vector<16xf32> to vector<16xi32>
        %swap3A_300 = arith.index_cast %add3A_295 : i32 to index
        %swap3A_301 = tpu.vector_load %arg6[%swap3A_300] {strides = array<i32>} : memref<16384xi32, #tpu.memory_space<vmem>>, vector<16xi32>,
        tpu.vector_store %arg6[%swap3A_300], %bitcast3A_299 {strides = array<i32>} : memref<16384xi32, #tpu.memory_space<vmem>>, vector<16xi32>,
        %add3A_302 = arith.constant 416 : i32
        %add3A_303 = arith.addi %mul3A_97, %add3A_302 : i32
        %get3A_304 = arith.index_cast %add3A_303 : i32 to index
        %get3A_305 = tpu.vector_load %arg6[%get3A_304] {strides = array<i32>} : memref<16384xi32, #tpu.memory_space<vmem>>, vector<16xi32>,
        %gather3A_306 = tpu.vector_load_idx %arg5[%get3A_305] : memref<100000xf32, #tpu.memory_space<vmem>>[vector<16xi32>], vector<16xf32>,
        %bitcast3A_307 = vector.bitcast %gather3A_306 : vector<16xf32> to vector<16xi32>
        %swap3A_308 = arith.index_cast %add3A_303 : i32 to index
        %swap3A_309 = tpu.vector_load %arg6[%swap3A_308] {strides = array<i32>} : memref<16384xi32, #tpu.memory_space<vmem>>, vector<16xi32>,
        tpu.vector_store %arg6[%swap3A_308], %bitcast3A_307 {strides = array<i32>} : memref<16384xi32, #tpu.memory_space<vmem>>, vector<16xi32>,
        %add3A_310 = arith.constant 432 : i32
        %add3A_311 = arith.addi %mul3A_97, %add3A_310 : i32
        %get3A_312 = arith.index_cast %add3A_311 : i32 to index
        %get3A_313 = tpu.vector_load %arg6[%get3A_312] {strides = array<i32>} : memref<16384xi32, #tpu.memory_space<vmem>>, vector<16xi32>,
        %gather3A_314 = tpu.vector_load_idx %arg5[%get3A_313] : memref<100000xf32, #tpu.memory_space<vmem>>[vector<16xi32>], vector<16xf32>,
        %bitcast3A_315 = vector.bitcast %gather3A_314 : vector<16xf32> to vector<16xi32>
        %swap3A_316 = arith.index_cast %add3A_311 : i32 to index
        %swap3A_317 = tpu.vector_load %arg6[%swap3A_316] {strides = array<i32>} : memref<16384xi32, #tpu.memory_space<vmem>>, vector<16xi32>,
        tpu.vector_store %arg6[%swap3A_316], %bitcast3A_315 {strides = array<i32>} : memref<16384xi32, #tpu.memory_space<vmem>>, vector<16xi32>,
        %add3A_318 = arith.constant 448 : i32
        %add3A_319 = arith.addi %mul3A_97, %add3A_318 : i32
        %get3A_320 = arith.index_cast %add3A_319 : i32 to index
        %get3A_321 = tpu.vector_load %arg6[%get3A_320] {strides = array<i32>} : memref<16384xi32, #tpu.memory_space<vmem>>, vector<16xi32>,
        %gather3A_322 = tpu.vector_load_idx %arg5[%get3A_321] : memref<100000xf32, #tpu.memory_space<vmem>>[vector<16xi32>], vector<16xf32>,
        %bitcast3A_323 = vector.bitcast %gather3A_322 : vector<16xf32> to vector<16xi32>
        %swap3A_324 = arith.index_cast %add3A_319 : i32 to index
        %swap3A_325 = tpu.vector_load %arg6[%swap3A_324] {strides = array<i32>} : memref<16384xi32, #tpu.memory_space<vmem>>, vector<16xi32>,
        tpu.vector_store %arg6[%swap3A_324], %bitcast3A_323 {strides = array<i32>} : memref<16384xi32, #tpu.memory_space<vmem>>, vector<16xi32>,
        %add3A_326 = arith.constant 464 : i32
        %add3A_327 = arith.addi %mul3A_97, %add3A_326 : i32
        %get3A_328 = arith.index_cast %add3A_327 : i32 to index
        %get3A_329 = tpu.vector_load %arg6[%get3A_328] {strides = array<i32>} : memref<16384xi32, #tpu.memory_space<vmem>>, vector<16xi32>,
        %gather3A_330 = tpu.vector_load_idx %arg5[%get3A_329] : memref<100000xf32, #tpu.memory_space<vmem>>[vector<16xi32>], vector<16xf32>,
        %bitcast3A_331 = vector.bitcast %gather3A_330 : vector<16xf32> to vector<16xi32>
        %swap3A_332 = arith.index_cast %add3A_327 : i32 to index
        %swap3A_333 = tpu.vector_load %arg6[%swap3A_332] {strides = array<i32>} : memref<16384xi32, #tpu.memory_space<vmem>>, vector<16xi32>,
        tpu.vector_store %arg6[%swap3A_332], %bitcast3A_331 {strides = array<i32>} : memref<16384xi32, #tpu.memory_space<vmem>>, vector<16xi32>,
        %add3A_334 = arith.constant 480 : i32
        %add3A_335 = arith.addi %mul3A_97, %add3A_334 : i32
        %get3A_336 = arith.index_cast %add3A_335 : i32 to index
        %get3A_337 = tpu.vector_load %arg6[%get3A_336] {strides = array<i32>} : memref<16384xi32, #tpu.memory_space<vmem>>, vector<16xi32>,
        %gather3A_338 = tpu.vector_load_idx %arg5[%get3A_337] : memref<100000xf32, #tpu.memory_space<vmem>>[vector<16xi32>], vector<16xf32>,
        %bitcast3A_339 = vector.bitcast %gather3A_338 : vector<16xf32> to vector<16xi32>
        %swap3A_340 = arith.index_cast %add3A_335 : i32 to index
        %swap3A_341 = tpu.vector_load %arg6[%swap3A_340] {strides = array<i32>} : memref<16384xi32, #tpu.memory_space<vmem>>, vector<16xi32>,
        tpu.vector_store %arg6[%swap3A_340], %bitcast3A_339 {strides = array<i32>} : memref<16384xi32, #tpu.memory_space<vmem>>, vector<16xi32>,
        %add3A_342 = arith.constant 496 : i32
        %add3A_343 = arith.addi %mul3A_97, %add3A_342 : i32
        %get3A_344 = arith.index_cast %add3A_343 : i32 to index
        %get3A_345 = tpu.vector_load %arg6[%get3A_344] {strides = array<i32>} : memref<16384xi32, #tpu.memory_space<vmem>>, vector<16xi32>,
        %gather3A_346 = tpu.vector_load_idx %arg5[%get3A_345] : memref<100000xf32, #tpu.memory_space<vmem>>[vector<16xi32>], vector<16xf32>,
        %bitcast3A_347 = vector.bitcast %gather3A_346 : vector<16xf32> to vector<16xi32>
        %swap3A_348 = arith.index_cast %add3A_343 : i32 to index
        %swap3A_349 = tpu.vector_load %arg6[%swap3A_348] {strides = array<i32>} : memref<16384xi32, #tpu.memory_space<vmem>>, vector<16xi32>,
        tpu.vector_store %arg6[%swap3A_348], %bitcast3A_347 {strides = array<i32>} : memref<16384xi32, #tpu.memory_space<vmem>>, vector<16xi32>,
        %add3A_350 = arith.constant 1 : i32
        %add3A_351 = arith.addi %scan3A_95, %add3A_350 : i32
        scf.yield %add3A_351 : i32
      }
      %scan3A_59 = arith.constant 32 : i32
      %add3A_60 = arith.constant 1 : i32
      %add3A_61 = arith.addi %add3A_46, %add3A_60 : i32
      %dma_start3A_62 = arith.constant 0 : i32
      %dma_start3A_63 = tpu.memref_slice %arg2[%add3A_61, %dma_start3A_62] : memref<416x100000xf32, #tpu.memory_space<hbm>> -> memref<1x100000xf32, #tpu.memory_space<hbm>>
      %dma_start3A_64 = tpu.memref_squeeze %dma_start3A_63 : memref<1x100000xf32, #tpu.memory_space<hbm>> -> memref<100000xf32, #tpu.memory_space<hbm>>
      %dma_start3A_65 = arith.constant 0 : i32
      %dma_start3A_66 = tpu.memref_slice %arg2[%add3A_61, %dma_start3A_65] : memref<416x100000xf32, #tpu.memory_space<hbm>> -> memref<1x100000xf32, #tpu.memory_space<hbm>>
      %dma_start3A_67 = tpu.memref_squeeze %dma_start3A_66 : memref<1x100000xf32, #tpu.memory_space<hbm>> -> memref<100000xf32, #tpu.memory_space<hbm>>
      tpu.enqueue_dma source(%dma_start3A_67 : memref<100000xf32, #tpu.memory_space<hbm>>) target(%arg5 : memref<100000xf32, #tpu.memory_space<vmem>>) target_semaphore(%arg7 : memref<!tpu.dma_semaphore, #tpu.memory_space<semaphore_mem>>)
      "tpu.region"() ({
        %run_scoped3A = tpu.sem_alloc : memref<!tpu.dma_semaphore, #tpu.memory_space<semaphore_mem>>
        %dma_start3A_94 = arith.constant 0 : i32
        %dma_start3A_95 = tpu.memref_slice %arg4[%add3A_46, %dma_start3A_94] : memref<416x16384xi32, #tpu.memory_space<hbm>> -> memref<1x16384xi32, #tpu.memory_space<hbm>>
        %dma_start3A_96 = tpu.memref_squeeze %dma_start3A_95 : memref<1x16384xi32, #tpu.memory_space<hbm>> -> memref<16384xi32, #tpu.memory_space<hbm>>
        %dma_start3A_97 = arith.constant 0 : i32
        %dma_start3A_98 = tpu.memref_slice %arg4[%add3A_46, %dma_start3A_97] : memref<416x16384xi32, #tpu.memory_space<hbm>> -> memref<1x16384xi32, #tpu.memory_space<hbm>>
        %dma_start3A_99 = tpu.memref_squeeze %dma_start3A_98 : memref<1x16384xi32, #tpu.memory_space<hbm>> -> memref<16384xi32, #tpu.memory_space<hbm>>
        tpu.enqueue_dma source(%arg6 : memref<16384xi32, #tpu.memory_space<vmem>>) target(%dma_start3A_99 : memref<16384xi32, #tpu.memory_space<hbm>>) target_semaphore(%run_scoped3A : memref<!tpu.dma_semaphore, #tpu.memory_space<semaphore_mem>>)
        %dma_wait3A_100 = arith.constant 0 : i32
        %dma_wait3A_101 = tpu.memref_slice %arg4[%add3A_46, %dma_wait3A_100] : memref<416x16384xi32, #tpu.memory_space<hbm>> -> memref<1x16384xi32, #tpu.memory_space<hbm>>
        %dma_wait3A_102 = tpu.memref_squeeze %dma_wait3A_101 : memref<1x16384xi32, #tpu.memory_space<hbm>> -> memref<16384xi32, #tpu.memory_space<hbm>>
        %dma_wait3A_103 = arith.constant 0 : i32
        %dma_wait3A_104 = tpu.memref_slice %arg4[%add3A_46, %dma_wait3A_103] : memref<416x16384xi32, #tpu.memory_space<hbm>> -> memref<1x16384xi32, #tpu.memory_space<hbm>>
        %dma_wait3A_105 = tpu.memref_squeeze %dma_wait3A_104 : memref<1x16384xi32, #tpu.memory_space<hbm>> -> memref<16384xi32, #tpu.memory_space<hbm>>
        tpu.wait_dma2 semaphore(%run_scoped3A : memref<!tpu.dma_semaphore, #tpu.memory_space<semaphore_mem>>) src(%arg6 : memref<16384xi32, #tpu.memory_space<vmem>>) dst(%dma_wait3A_105 : memref<16384xi32, #tpu.memory_space<hbm>>)
        tpu.yield
      }) : () -> ()
      %add3A_68 = arith.constant 1 : i32
      %add3A_69 = arith.addi %add3A_46, %add3A_68 : i32
      %jit3A_70 = arith.constant 16 : i32
      %div3A_71 = arith.divsi %add3A_69, %jit3A_70 : i32
      %sign3A_72 = arith.constant 0 : i32
      %sign3A_73 = arith.cmpi sgt, %add3A_69, %sign3A_72 : i32
      %sign3A_74 = arith.extui %sign3A_73 : i1 to i32
      %sign3A_75 = arith.constant 0 : i32
      %sign3A_76 = arith.cmpi slt, %add3A_69, %sign3A_75 : i32
      %sign3A_77 = arith.extui %sign3A_76 : i1 to i32
      %sign3A_78 = arith.subi %sign3A_74, %sign3A_77 : i32
      %sign3A_79 = arith.constant 0 : i32
      %sign3A_80 = arith.cmpi sgt, %jit3A_70, %sign3A_79 : i32
      %sign3A_81 = arith.extui %sign3A_80 : i1 to i32
      %sign3A_82 = arith.constant 0 : i32
      %sign3A_83 = arith.cmpi slt, %jit3A_70, %sign3A_82 : i32
      %sign3A_84 = arith.extui %sign3A_83 : i1 to i32
      %sign3A_85 = arith.subi %sign3A_81, %sign3A_84 : i32
      %ne3A_86 = arith.cmpi ne, %sign3A_78, %sign3A_85 : i32
      %rem3A_87 = arith.remsi %add3A_69, %jit3A_70 : i32
      %ne3A_88 = arith.constant 0 : i32
      %ne3A_89 = arith.cmpi ne, %rem3A_87, %ne3A_88 : i32
      %and3A_90 = arith.andi %ne3A_86, %ne3A_89 : i1
      %sub3A_91 = arith.constant 1 : i32
      %sub3A_92 = arith.subi %div3A_71, %sub3A_91 : i32
      %select_n3A_93 = arith.select %and3A_90, %sub3A_92, %div3A_71 : i32
      "tpu.region"() ({
        %run_scoped3A = tpu.sem_alloc : memref<!tpu.dma_semaphore, #tpu.memory_space<semaphore_mem>>
        %dma_start3A_94 = arith.constant 0 : i32
        %dma_start3A_95 = tpu.memref_slice %arg3[%select_n3A_93, %dma_start3A_94] : memref<26x16384xi32, #tpu.memory_space<hbm>> -> memref<1x16384xi32, #tpu.memory_space<hbm>>
        %dma_start3A_96 = tpu.memref_squeeze %dma_start3A_95 : memref<1x16384xi32, #tpu.memory_space<hbm>> -> memref<16384xi32, #tpu.memory_space<hbm>>
        %dma_start3A_97 = arith.constant 0 : i32
        %dma_start3A_98 = tpu.memref_slice %arg3[%select_n3A_93, %dma_start3A_97] : memref<26x16384xi32, #tpu.memory_space<hbm>> -> memref<1x16384xi32, #tpu.memory_space<hbm>>
        %dma_start3A_99 = tpu.memref_squeeze %dma_start3A_98 : memref<1x16384xi32, #tpu.memory_space<hbm>> -> memref<16384xi32, #tpu.memory_space<hbm>>
        tpu.enqueue_dma source(%dma_start3A_99 : memref<16384xi32, #tpu.memory_space<hbm>>) target(%arg6 : memref<16384xi32, #tpu.memory_space<vmem>>) target_semaphore(%run_scoped3A : memref<!tpu.dma_semaphore, #tpu.memory_space<semaphore_mem>>)
        %dma_wait3A_100 = arith.constant 0 : i32
        %dma_wait3A_101 = tpu.memref_slice %arg3[%select_n3A_93, %dma_wait3A_100] : memref<26x16384xi32, #tpu.memory_space<hbm>> -> memref<1x16384xi32, #tpu.memory_space<hbm>>
        %dma_wait3A_102 = tpu.memref_squeeze %dma_wait3A_101 : memref<1x16384xi32, #tpu.memory_space<hbm>> -> memref<16384xi32, #tpu.memory_space<hbm>>
        %dma_wait3A_103 = arith.constant 0 : i32
        %dma_wait3A_104 = tpu.memref_slice %arg3[%select_n3A_93, %dma_wait3A_103] : memref<26x16384xi32, #tpu.memory_space<hbm>> -> memref<1x16384xi32, #tpu.memory_space<hbm>>
        %dma_wait3A_105 = tpu.memref_squeeze %dma_wait3A_104 : memref<1x16384xi32, #tpu.memory_space<hbm>> -> memref<16384xi32, #tpu.memory_space<hbm>>
        tpu.wait_dma2 semaphore(%run_scoped3A : memref<!tpu.dma_semaphore, #tpu.memory_space<semaphore_mem>>) src(%dma_wait3A_105 : memref<16384xi32, #tpu.memory_space<hbm>>) dst(%arg6 : memref<16384xi32, #tpu.memory_space<vmem>>)
        tpu.yield
      }) : () -> ()
    }
    %scan3A_28 = arith.constant 12 : i32
    %add3A_29 = arith.constant 13 : i32
    %add3A_30 = arith.addi %mul3A_2, %add3A_29 : i32
    %sub3A_31 = arith.constant 1 : i32
    %sub3A_32 = arith.subi %add3A_30, %sub3A_31 : i32
    %dma_wait3A = arith.constant 0 : i32
    %dma_wait3A_33 = tpu.memref_slice %arg2[%sub3A_32, %dma_wait3A] : memref<416x100000xf32, #tpu.memory_space<hbm>> -> memref<1x100000xf32, #tpu.memory_space<hbm>>
    %dma_wait3A_34 = tpu.memref_squeeze %dma_wait3A_33 : memref<1x100000xf32, #tpu.memory_space<hbm>> -> memref<100000xf32, #tpu.memory_space<hbm>>
    %dma_wait3A_35 = arith.constant 0 : i32
    %dma_wait3A_36 = tpu.memref_slice %arg2[%sub3A_32, %dma_wait3A_35] : memref<416x100000xf32, #tpu.memory_space<hbm>> -> memref<1x100000xf32, #tpu.memory_space<hbm>>
    %dma_wait3A_37 = tpu.memref_squeeze %dma_wait3A_36 : memref<1x100000xf32, #tpu.memory_space<hbm>> -> memref<100000xf32, #tpu.memory_space<hbm>>
    tpu.wait_dma2 semaphore(%arg7 : memref<!tpu.dma_semaphore, #tpu.memory_space<semaphore_mem>>) src(%dma_wait3A_37 : memref<100000xf32, #tpu.memory_space<hbm>>) dst(%arg5 : memref<100000xf32, #tpu.memory_space<vmem>>)
    %scan3A_38 = arith.constant 0 : i32
    %scan3A_39 = arith.constant 0 : i32
    %scan3A_40 = arith.constant 32 : i32
    %scan3A_41 = arith.addi %scan3A_39, %scan3A_40 : i32
    %scan3A_42 = arith.constant 1 : i32
    %scan3A_43 = scf.for %scan3A_45 = %scan3A_39 to %scan3A_41 step %scan3A_42 iter_args(%scan3A_46 = %scan3A_38) -> (i32)  : i32 {
      %mul3A_47 = arith.constant 512 : i32
      %mul3A_48 = arith.muli %scan3A_46, %mul3A_47 : i32
      %add3A_49 = arith.constant 0 : i32
      %add3A_50 = arith.addi %mul3A_48, %add3A_49 : i32
      %get3A = arith.index_cast %add3A_50 : i32 to index
      %get3A_51 = tpu.vector_load %arg6[%get3A] {strides = array<i32>} : memref<16384xi32, #tpu.memory_space<vmem>>, vector<16xi32>,
      %gather3A = tpu.vector_load_idx %arg5[%get3A_51] : memref<100000xf32, #tpu.memory_space<vmem>>[vector<16xi32>], vector<16xf32>,
      %bitcast3A = vector.bitcast %gather3A : vector<16xf32> to vector<16xi32>
      %swap3A = arith.index_cast %add3A_50 : i32 to index
      %swap3A_52 = tpu.vector_load %arg6[%swap3A] {strides = array<i32>} : memref<16384xi32, #tpu.memory_space<vmem>>, vector<16xi32>,
      tpu.vector_store %arg6[%swap3A], %bitcast3A {strides = array<i32>} : memref<16384xi32, #tpu.memory_space<vmem>>, vector<16xi32>,
      %add3A_53 = arith.constant 16 : i32
      %add3A_54 = arith.addi %mul3A_48, %add3A_53 : i32
      %get3A_55 = arith.index_cast %add3A_54 : i32 to index
      %get3A_56 = tpu.vector_load %arg6[%get3A_55] {strides = array<i32>} : memref<16384xi32, #tpu.memory_space<vmem>>, vector<16xi32>,
      %gather3A_57 = tpu.vector_load_idx %arg5[%get3A_56] : memref<100000xf32, #tpu.memory_space<vmem>>[vector<16xi32>], vector<16xf32>,
      %bitcast3A_58 = vector.bitcast %gather3A_57 : vector<16xf32> to vector<16xi32>
      %swap3A_59 = arith.index_cast %add3A_54 : i32 to index
      %swap3A_60 = tpu.vector_load %arg6[%swap3A_59] {strides = array<i32>} : memref<16384xi32, #tpu.memory_space<vmem>>, vector<16xi32>,
      tpu.vector_store %arg6[%swap3A_59], %bitcast3A_58 {strides = array<i32>} : memref<16384xi32, #tpu.memory_space<vmem>>, vector<16xi32>,
      %add3A_61 = arith.constant 32 : i32
      %add3A_62 = arith.addi %mul3A_48, %add3A_61 : i32
      %get3A_63 = arith.index_cast %add3A_62 : i32 to index
      %get3A_64 = tpu.vector_load %arg6[%get3A_63] {strides = array<i32>} : memref<16384xi32, #tpu.memory_space<vmem>>, vector<16xi32>,
      %gather3A_65 = tpu.vector_load_idx %arg5[%get3A_64] : memref<100000xf32, #tpu.memory_space<vmem>>[vector<16xi32>], vector<16xf32>,
      %bitcast3A_66 = vector.bitcast %gather3A_65 : vector<16xf32> to vector<16xi32>
      %swap3A_67 = arith.index_cast %add3A_62 : i32 to index
      %swap3A_68 = tpu.vector_load %arg6[%swap3A_67] {strides = array<i32>} : memref<16384xi32, #tpu.memory_space<vmem>>, vector<16xi32>,
      tpu.vector_store %arg6[%swap3A_67], %bitcast3A_66 {strides = array<i32>} : memref<16384xi32, #tpu.memory_space<vmem>>, vector<16xi32>,
      %add3A_69 = arith.constant 48 : i32
      %add3A_70 = arith.addi %mul3A_48, %add3A_69 : i32
      %get3A_71 = arith.index_cast %add3A_70 : i32 to index
      %get3A_72 = tpu.vector_load %arg6[%get3A_71] {strides = array<i32>} : memref<16384xi32, #tpu.memory_space<vmem>>, vector<16xi32>,
      %gather3A_73 = tpu.vector_load_idx %arg5[%get3A_72] : memref<100000xf32, #tpu.memory_space<vmem>>[vector<16xi32>], vector<16xf32>,
      %bitcast3A_74 = vector.bitcast %gather3A_73 : vector<16xf32> to vector<16xi32>
      %swap3A_75 = arith.index_cast %add3A_70 : i32 to index
      %swap3A_76 = tpu.vector_load %arg6[%swap3A_75] {strides = array<i32>} : memref<16384xi32, #tpu.memory_space<vmem>>, vector<16xi32>,
      tpu.vector_store %arg6[%swap3A_75], %bitcast3A_74 {strides = array<i32>} : memref<16384xi32, #tpu.memory_space<vmem>>, vector<16xi32>,
      %add3A_77 = arith.constant 64 : i32
      %add3A_78 = arith.addi %mul3A_48, %add3A_77 : i32
      %get3A_79 = arith.index_cast %add3A_78 : i32 to index
      %get3A_80 = tpu.vector_load %arg6[%get3A_79] {strides = array<i32>} : memref<16384xi32, #tpu.memory_space<vmem>>, vector<16xi32>,
      %gather3A_81 = tpu.vector_load_idx %arg5[%get3A_80] : memref<100000xf32, #tpu.memory_space<vmem>>[vector<16xi32>], vector<16xf32>,
      %bitcast3A_82 = vector.bitcast %gather3A_81 : vector<16xf32> to vector<16xi32>
      %swap3A_83 = arith.index_cast %add3A_78 : i32 to index
      %swap3A_84 = tpu.vector_load %arg6[%swap3A_83] {strides = array<i32>} : memref<16384xi32, #tpu.memory_space<vmem>>, vector<16xi32>,
      tpu.vector_store %arg6[%swap3A_83], %bitcast3A_82 {strides = array<i32>} : memref<16384xi32, #tpu.memory_space<vmem>>, vector<16xi32>,
      %add3A_85 = arith.constant 80 : i32
      %add3A_86 = arith.addi %mul3A_48, %add3A_85 : i32
      %get3A_87 = arith.index_cast %add3A_86 : i32 to index
      %get3A_88 = tpu.vector_load %arg6[%get3A_87] {strides = array<i32>} : memref<16384xi32, #tpu.memory_space<vmem>>, vector<16xi32>,
      %gather3A_89 = tpu.vector_load_idx %arg5[%get3A_88] : memref<100000xf32, #tpu.memory_space<vmem>>[vector<16xi32>], vector<16xf32>,
      %bitcast3A_90 = vector.bitcast %gather3A_89 : vector<16xf32> to vector<16xi32>
      %swap3A_91 = arith.index_cast %add3A_86 : i32 to index
      %swap3A_92 = tpu.vector_load %arg6[%swap3A_91] {strides = array<i32>} : memref<16384xi32, #tpu.memory_space<vmem>>, vector<16xi32>,
      tpu.vector_store %arg6[%swap3A_91], %bitcast3A_90 {strides = array<i32>} : memref<16384xi32, #tpu.memory_space<vmem>>, vector<16xi32>,
      %add3A_93 = arith.constant 96 : i32
      %add3A_94 = arith.addi %mul3A_48, %add3A_93 : i32
      %get3A_95 = arith.index_cast %add3A_94 : i32 to index
      %get3A_96 = tpu.vector_load %arg6[%get3A_95] {strides = array<i32>} : memref<16384xi32, #tpu.memory_space<vmem>>, vector<16xi32>,
      %gather3A_97 = tpu.vector_load_idx %arg5[%get3A_96] : memref<100000xf32, #tpu.memory_space<vmem>>[vector<16xi32>], vector<16xf32>,
      %bitcast3A_98 = vector.bitcast %gather3A_97 : vector<16xf32> to vector<16xi32>
      %swap3A_99 = arith.index_cast %add3A_94 : i32 to index
      %swap3A_100 = tpu.vector_load %arg6[%swap3A_99] {strides = array<i32>} : memref<16384xi32, #tpu.memory_space<vmem>>, vector<16xi32>,
      tpu.vector_store %arg6[%swap3A_99], %bitcast3A_98 {strides = array<i32>} : memref<16384xi32, #tpu.memory_space<vmem>>, vector<16xi32>,
      %add3A_101 = arith.constant 112 : i32
      %add3A_102 = arith.addi %mul3A_48, %add3A_101 : i32
      %get3A_103 = arith.index_cast %add3A_102 : i32 to index
      %get3A_104 = tpu.vector_load %arg6[%get3A_103] {strides = array<i32>} : memref<16384xi32, #tpu.memory_space<vmem>>, vector<16xi32>,
      %gather3A_105 = tpu.vector_load_idx %arg5[%get3A_104] : memref<100000xf32, #tpu.memory_space<vmem>>[vector<16xi32>], vector<16xf32>,
      %bitcast3A_106 = vector.bitcast %gather3A_105 : vector<16xf32> to vector<16xi32>
      %swap3A_107 = arith.index_cast %add3A_102 : i32 to index
      %swap3A_108 = tpu.vector_load %arg6[%swap3A_107] {strides = array<i32>} : memref<16384xi32, #tpu.memory_space<vmem>>, vector<16xi32>,
      tpu.vector_store %arg6[%swap3A_107], %bitcast3A_106 {strides = array<i32>} : memref<16384xi32, #tpu.memory_space<vmem>>, vector<16xi32>,
      %add3A_109 = arith.constant 128 : i32
      %add3A_110 = arith.addi %mul3A_48, %add3A_109 : i32
      %get3A_111 = arith.index_cast %add3A_110 : i32 to index
      %get3A_112 = tpu.vector_load %arg6[%get3A_111] {strides = array<i32>} : memref<16384xi32, #tpu.memory_space<vmem>>, vector<16xi32>,
      %gather3A_113 = tpu.vector_load_idx %arg5[%get3A_112] : memref<100000xf32, #tpu.memory_space<vmem>>[vector<16xi32>], vector<16xf32>,
      %bitcast3A_114 = vector.bitcast %gather3A_113 : vector<16xf32> to vector<16xi32>
      %swap3A_115 = arith.index_cast %add3A_110 : i32 to index
      %swap3A_116 = tpu.vector_load %arg6[%swap3A_115] {strides = array<i32>} : memref<16384xi32, #tpu.memory_space<vmem>>, vector<16xi32>,
      tpu.vector_store %arg6[%swap3A_115], %bitcast3A_114 {strides = array<i32>} : memref<16384xi32, #tpu.memory_space<vmem>>, vector<16xi32>,
      %add3A_117 = arith.constant 144 : i32
      %add3A_118 = arith.addi %mul3A_48, %add3A_117 : i32
      %get3A_119 = arith.index_cast %add3A_118 : i32 to index
      %get3A_120 = tpu.vector_load %arg6[%get3A_119] {strides = array<i32>} : memref<16384xi32, #tpu.memory_space<vmem>>, vector<16xi32>,
      %gather3A_121 = tpu.vector_load_idx %arg5[%get3A_120] : memref<100000xf32, #tpu.memory_space<vmem>>[vector<16xi32>], vector<16xf32>,
      %bitcast3A_122 = vector.bitcast %gather3A_121 : vector<16xf32> to vector<16xi32>
      %swap3A_123 = arith.index_cast %add3A_118 : i32 to index
      %swap3A_124 = tpu.vector_load %arg6[%swap3A_123] {strides = array<i32>} : memref<16384xi32, #tpu.memory_space<vmem>>, vector<16xi32>,
      tpu.vector_store %arg6[%swap3A_123], %bitcast3A_122 {strides = array<i32>} : memref<16384xi32, #tpu.memory_space<vmem>>, vector<16xi32>,
      %add3A_125 = arith.constant 160 : i32
      %add3A_126 = arith.addi %mul3A_48, %add3A_125 : i32
      %get3A_127 = arith.index_cast %add3A_126 : i32 to index
      %get3A_128 = tpu.vector_load %arg6[%get3A_127] {strides = array<i32>} : memref<16384xi32, #tpu.memory_space<vmem>>, vector<16xi32>,
      %gather3A_129 = tpu.vector_load_idx %arg5[%get3A_128] : memref<100000xf32, #tpu.memory_space<vmem>>[vector<16xi32>], vector<16xf32>,
      %bitcast3A_130 = vector.bitcast %gather3A_129 : vector<16xf32> to vector<16xi32>
      %swap3A_131 = arith.index_cast %add3A_126 : i32 to index
      %swap3A_132 = tpu.vector_load %arg6[%swap3A_131] {strides = array<i32>} : memref<16384xi32, #tpu.memory_space<vmem>>, vector<16xi32>,
      tpu.vector_store %arg6[%swap3A_131], %bitcast3A_130 {strides = array<i32>} : memref<16384xi32, #tpu.memory_space<vmem>>, vector<16xi32>,
      %add3A_133 = arith.constant 176 : i32
      %add3A_134 = arith.addi %mul3A_48, %add3A_133 : i32
      %get3A_135 = arith.index_cast %add3A_134 : i32 to index
      %get3A_136 = tpu.vector_load %arg6[%get3A_135] {strides = array<i32>} : memref<16384xi32, #tpu.memory_space<vmem>>, vector<16xi32>,
      %gather3A_137 = tpu.vector_load_idx %arg5[%get3A_136] : memref<100000xf32, #tpu.memory_space<vmem>>[vector<16xi32>], vector<16xf32>,
      %bitcast3A_138 = vector.bitcast %gather3A_137 : vector<16xf32> to vector<16xi32>
      %swap3A_139 = arith.index_cast %add3A_134 : i32 to index
      %swap3A_140 = tpu.vector_load %arg6[%swap3A_139] {strides = array<i32>} : memref<16384xi32, #tpu.memory_space<vmem>>, vector<16xi32>,
      tpu.vector_store %arg6[%swap3A_139], %bitcast3A_138 {strides = array<i32>} : memref<16384xi32, #tpu.memory_space<vmem>>, vector<16xi32>,
      %add3A_141 = arith.constant 192 : i32
      %add3A_142 = arith.addi %mul3A_48, %add3A_141 : i32
      %get3A_143 = arith.index_cast %add3A_142 : i32 to index
      %get3A_144 = tpu.vector_load %arg6[%get3A_143] {strides = array<i32>} : memref<16384xi32, #tpu.memory_space<vmem>>, vector<16xi32>,
      %gather3A_145 = tpu.vector_load_idx %arg5[%get3A_144] : memref<100000xf32, #tpu.memory_space<vmem>>[vector<16xi32>], vector<16xf32>,
      %bitcast3A_146 = vector.bitcast %gather3A_145 : vector<16xf32> to vector<16xi32>
      %swap3A_147 = arith.index_cast %add3A_142 : i32 to index
      %swap3A_148 = tpu.vector_load %arg6[%swap3A_147] {strides = array<i32>} : memref<16384xi32, #tpu.memory_space<vmem>>, vector<16xi32>,
      tpu.vector_store %arg6[%swap3A_147], %bitcast3A_146 {strides = array<i32>} : memref<16384xi32, #tpu.memory_space<vmem>>, vector<16xi32>,
      %add3A_149 = arith.constant 208 : i32
      %add3A_150 = arith.addi %mul3A_48, %add3A_149 : i32
      %get3A_151 = arith.index_cast %add3A_150 : i32 to index
      %get3A_152 = tpu.vector_load %arg6[%get3A_151] {strides = array<i32>} : memref<16384xi32, #tpu.memory_space<vmem>>, vector<16xi32>,
      %gather3A_153 = tpu.vector_load_idx %arg5[%get3A_152] : memref<100000xf32, #tpu.memory_space<vmem>>[vector<16xi32>], vector<16xf32>,
      %bitcast3A_154 = vector.bitcast %gather3A_153 : vector<16xf32> to vector<16xi32>
      %swap3A_155 = arith.index_cast %add3A_150 : i32 to index
      %swap3A_156 = tpu.vector_load %arg6[%swap3A_155] {strides = array<i32>} : memref<16384xi32, #tpu.memory_space<vmem>>, vector<16xi32>,
      tpu.vector_store %arg6[%swap3A_155], %bitcast3A_154 {strides = array<i32>} : memref<16384xi32, #tpu.memory_space<vmem>>, vector<16xi32>,
      %add3A_157 = arith.constant 224 : i32
      %add3A_158 = arith.addi %mul3A_48, %add3A_157 : i32
      %get3A_159 = arith.index_cast %add3A_158 : i32 to index
      %get3A_160 = tpu.vector_load %arg6[%get3A_159] {strides = array<i32>} : memref<16384xi32, #tpu.memory_space<vmem>>, vector<16xi32>,
      %gather3A_161 = tpu.vector_load_idx %arg5[%get3A_160] : memref<100000xf32, #tpu.memory_space<vmem>>[vector<16xi32>], vector<16xf32>,
      %bitcast3A_162 = vector.bitcast %gather3A_161 : vector<16xf32> to vector<16xi32>
      %swap3A_163 = arith.index_cast %add3A_158 : i32 to index
      %swap3A_164 = tpu.vector_load %arg6[%swap3A_163] {strides = array<i32>} : memref<16384xi32, #tpu.memory_space<vmem>>, vector<16xi32>,
      tpu.vector_store %arg6[%swap3A_163], %bitcast3A_162 {strides = array<i32>} : memref<16384xi32, #tpu.memory_space<vmem>>, vector<16xi32>,
      %add3A_165 = arith.constant 240 : i32
      %add3A_166 = arith.addi %mul3A_48, %add3A_165 : i32
      %get3A_167 = arith.index_cast %add3A_166 : i32 to index
      %get3A_168 = tpu.vector_load %arg6[%get3A_167] {strides = array<i32>} : memref<16384xi32, #tpu.memory_space<vmem>>, vector<16xi32>,
      %gather3A_169 = tpu.vector_load_idx %arg5[%get3A_168] : memref<100000xf32, #tpu.memory_space<vmem>>[vector<16xi32>], vector<16xf32>,
      %bitcast3A_170 = vector.bitcast %gather3A_169 : vector<16xf32> to vector<16xi32>
      %swap3A_171 = arith.index_cast %add3A_166 : i32 to index
      %swap3A_172 = tpu.vector_load %arg6[%swap3A_171] {strides = array<i32>} : memref<16384xi32, #tpu.memory_space<vmem>>, vector<16xi32>,
      tpu.vector_store %arg6[%swap3A_171], %bitcast3A_170 {strides = array<i32>} : memref<16384xi32, #tpu.memory_space<vmem>>, vector<16xi32>,
      %add3A_173 = arith.constant 256 : i32
      %add3A_174 = arith.addi %mul3A_48, %add3A_173 : i32
      %get3A_175 = arith.index_cast %add3A_174 : i32 to index
      %get3A_176 = tpu.vector_load %arg6[%get3A_175] {strides = array<i32>} : memref<16384xi32, #tpu.memory_space<vmem>>, vector<16xi32>,
      %gather3A_177 = tpu.vector_load_idx %arg5[%get3A_176] : memref<100000xf32, #tpu.memory_space<vmem>>[vector<16xi32>], vector<16xf32>,
      %bitcast3A_178 = vector.bitcast %gather3A_177 : vector<16xf32> to vector<16xi32>
      %swap3A_179 = arith.index_cast %add3A_174 : i32 to index
      %swap3A_180 = tpu.vector_load %arg6[%swap3A_179] {strides = array<i32>} : memref<16384xi32, #tpu.memory_space<vmem>>, vector<16xi32>,
      tpu.vector_store %arg6[%swap3A_179], %bitcast3A_178 {strides = array<i32>} : memref<16384xi32, #tpu.memory_space<vmem>>, vector<16xi32>,
      %add3A_181 = arith.constant 272 : i32
      %add3A_182 = arith.addi %mul3A_48, %add3A_181 : i32
      %get3A_183 = arith.index_cast %add3A_182 : i32 to index
      %get3A_184 = tpu.vector_load %arg6[%get3A_183] {strides = array<i32>} : memref<16384xi32, #tpu.memory_space<vmem>>, vector<16xi32>,
      %gather3A_185 = tpu.vector_load_idx %arg5[%get3A_184] : memref<100000xf32, #tpu.memory_space<vmem>>[vector<16xi32>], vector<16xf32>,
      %bitcast3A_186 = vector.bitcast %gather3A_185 : vector<16xf32> to vector<16xi32>
      %swap3A_187 = arith.index_cast %add3A_182 : i32 to index
      %swap3A_188 = tpu.vector_load %arg6[%swap3A_187] {strides = array<i32>} : memref<16384xi32, #tpu.memory_space<vmem>>, vector<16xi32>,
      tpu.vector_store %arg6[%swap3A_187], %bitcast3A_186 {strides = array<i32>} : memref<16384xi32, #tpu.memory_space<vmem>>, vector<16xi32>,
      %add3A_189 = arith.constant 288 : i32
      %add3A_190 = arith.addi %mul3A_48, %add3A_189 : i32
      %get3A_191 = arith.index_cast %add3A_190 : i32 to index
      %get3A_192 = tpu.vector_load %arg6[%get3A_191] {strides = array<i32>} : memref<16384xi32, #tpu.memory_space<vmem>>, vector<16xi32>,
      %gather3A_193 = tpu.vector_load_idx %arg5[%get3A_192] : memref<100000xf32, #tpu.memory_space<vmem>>[vector<16xi32>], vector<16xf32>,
      %bitcast3A_194 = vector.bitcast %gather3A_193 : vector<16xf32> to vector<16xi32>
      %swap3A_195 = arith.index_cast %add3A_190 : i32 to index
      %swap3A_196 = tpu.vector_load %arg6[%swap3A_195] {strides = array<i32>} : memref<16384xi32, #tpu.memory_space<vmem>>, vector<16xi32>,
      tpu.vector_store %arg6[%swap3A_195], %bitcast3A_194 {strides = array<i32>} : memref<16384xi32, #tpu.memory_space<vmem>>, vector<16xi32>,
      %add3A_197 = arith.constant 304 : i32
      %add3A_198 = arith.addi %mul3A_48, %add3A_197 : i32
      %get3A_199 = arith.index_cast %add3A_198 : i32 to index
      %get3A_200 = tpu.vector_load %arg6[%get3A_199] {strides = array<i32>} : memref<16384xi32, #tpu.memory_space<vmem>>, vector<16xi32>,
      %gather3A_201 = tpu.vector_load_idx %arg5[%get3A_200] : memref<100000xf32, #tpu.memory_space<vmem>>[vector<16xi32>], vector<16xf32>,
      %bitcast3A_202 = vector.bitcast %gather3A_201 : vector<16xf32> to vector<16xi32>
      %swap3A_203 = arith.index_cast %add3A_198 : i32 to index
      %swap3A_204 = tpu.vector_load %arg6[%swap3A_203] {strides = array<i32>} : memref<16384xi32, #tpu.memory_space<vmem>>, vector<16xi32>,
      tpu.vector_store %arg6[%swap3A_203], %bitcast3A_202 {strides = array<i32>} : memref<16384xi32, #tpu.memory_space<vmem>>, vector<16xi32>,
      %add3A_205 = arith.constant 320 : i32
      %add3A_206 = arith.addi %mul3A_48, %add3A_205 : i32
      %get3A_207 = arith.index_cast %add3A_206 : i32 to index
      %get3A_208 = tpu.vector_load %arg6[%get3A_207] {strides = array<i32>} : memref<16384xi32, #tpu.memory_space<vmem>>, vector<16xi32>,
      %gather3A_209 = tpu.vector_load_idx %arg5[%get3A_208] : memref<100000xf32, #tpu.memory_space<vmem>>[vector<16xi32>], vector<16xf32>,
      %bitcast3A_210 = vector.bitcast %gather3A_209 : vector<16xf32> to vector<16xi32>
      %swap3A_211 = arith.index_cast %add3A_206 : i32 to index
      %swap3A_212 = tpu.vector_load %arg6[%swap3A_211] {strides = array<i32>} : memref<16384xi32, #tpu.memory_space<vmem>>, vector<16xi32>,
      tpu.vector_store %arg6[%swap3A_211], %bitcast3A_210 {strides = array<i32>} : memref<16384xi32, #tpu.memory_space<vmem>>, vector<16xi32>,
      %add3A_213 = arith.constant 336 : i32
      %add3A_214 = arith.addi %mul3A_48, %add3A_213 : i32
      %get3A_215 = arith.index_cast %add3A_214 : i32 to index
      %get3A_216 = tpu.vector_load %arg6[%get3A_215] {strides = array<i32>} : memref<16384xi32, #tpu.memory_space<vmem>>, vector<16xi32>,
      %gather3A_217 = tpu.vector_load_idx %arg5[%get3A_216] : memref<100000xf32, #tpu.memory_space<vmem>>[vector<16xi32>], vector<16xf32>,
      %bitcast3A_218 = vector.bitcast %gather3A_217 : vector<16xf32> to vector<16xi32>
      %swap3A_219 = arith.index_cast %add3A_214 : i32 to index
      %swap3A_220 = tpu.vector_load %arg6[%swap3A_219] {strides = array<i32>} : memref<16384xi32, #tpu.memory_space<vmem>>, vector<16xi32>,
      tpu.vector_store %arg6[%swap3A_219], %bitcast3A_218 {strides = array<i32>} : memref<16384xi32, #tpu.memory_space<vmem>>, vector<16xi32>,
      %add3A_221 = arith.constant 352 : i32
      %add3A_222 = arith.addi %mul3A_48, %add3A_221 : i32
      %get3A_223 = arith.index_cast %add3A_222 : i32 to index
      %get3A_224 = tpu.vector_load %arg6[%get3A_223] {strides = array<i32>} : memref<16384xi32, #tpu.memory_space<vmem>>, vector<16xi32>,
      %gather3A_225 = tpu.vector_load_idx %arg5[%get3A_224] : memref<100000xf32, #tpu.memory_space<vmem>>[vector<16xi32>], vector<16xf32>,
      %bitcast3A_226 = vector.bitcast %gather3A_225 : vector<16xf32> to vector<16xi32>
      %swap3A_227 = arith.index_cast %add3A_222 : i32 to index
      %swap3A_228 = tpu.vector_load %arg6[%swap3A_227] {strides = array<i32>} : memref<16384xi32, #tpu.memory_space<vmem>>, vector<16xi32>,
      tpu.vector_store %arg6[%swap3A_227], %bitcast3A_226 {strides = array<i32>} : memref<16384xi32, #tpu.memory_space<vmem>>, vector<16xi32>,
      %add3A_229 = arith.constant 368 : i32
      %add3A_230 = arith.addi %mul3A_48, %add3A_229 : i32
      %get3A_231 = arith.index_cast %add3A_230 : i32 to index
      %get3A_232 = tpu.vector_load %arg6[%get3A_231] {strides = array<i32>} : memref<16384xi32, #tpu.memory_space<vmem>>, vector<16xi32>,
      %gather3A_233 = tpu.vector_load_idx %arg5[%get3A_232] : memref<100000xf32, #tpu.memory_space<vmem>>[vector<16xi32>], vector<16xf32>,
      %bitcast3A_234 = vector.bitcast %gather3A_233 : vector<16xf32> to vector<16xi32>
      %swap3A_235 = arith.index_cast %add3A_230 : i32 to index
      %swap3A_236 = tpu.vector_load %arg6[%swap3A_235] {strides = array<i32>} : memref<16384xi32, #tpu.memory_space<vmem>>, vector<16xi32>,
      tpu.vector_store %arg6[%swap3A_235], %bitcast3A_234 {strides = array<i32>} : memref<16384xi32, #tpu.memory_space<vmem>>, vector<16xi32>,
      %add3A_237 = arith.constant 384 : i32
      %add3A_238 = arith.addi %mul3A_48, %add3A_237 : i32
      %get3A_239 = arith.index_cast %add3A_238 : i32 to index
      %get3A_240 = tpu.vector_load %arg6[%get3A_239] {strides = array<i32>} : memref<16384xi32, #tpu.memory_space<vmem>>, vector<16xi32>,
      %gather3A_241 = tpu.vector_load_idx %arg5[%get3A_240] : memref<100000xf32, #tpu.memory_space<vmem>>[vector<16xi32>], vector<16xf32>,
      %bitcast3A_242 = vector.bitcast %gather3A_241 : vector<16xf32> to vector<16xi32>
      %swap3A_243 = arith.index_cast %add3A_238 : i32 to index
      %swap3A_244 = tpu.vector_load %arg6[%swap3A_243] {strides = array<i32>} : memref<16384xi32, #tpu.memory_space<vmem>>, vector<16xi32>,
      tpu.vector_store %arg6[%swap3A_243], %bitcast3A_242 {strides = array<i32>} : memref<16384xi32, #tpu.memory_space<vmem>>, vector<16xi32>,
      %add3A_245 = arith.constant 400 : i32
      %add3A_246 = arith.addi %mul3A_48, %add3A_245 : i32
      %get3A_247 = arith.index_cast %add3A_246 : i32 to index
      %get3A_248 = tpu.vector_load %arg6[%get3A_247] {strides = array<i32>} : memref<16384xi32, #tpu.memory_space<vmem>>, vector<16xi32>,
      %gather3A_249 = tpu.vector_load_idx %arg5[%get3A_248] : memref<100000xf32, #tpu.memory_space<vmem>>[vector<16xi32>], vector<16xf32>,
      %bitcast3A_250 = vector.bitcast %gather3A_249 : vector<16xf32> to vector<16xi32>
      %swap3A_251 = arith.index_cast %add3A_246 : i32 to index
      %swap3A_252 = tpu.vector_load %arg6[%swap3A_251] {strides = array<i32>} : memref<16384xi32, #tpu.memory_space<vmem>>, vector<16xi32>,
      tpu.vector_store %arg6[%swap3A_251], %bitcast3A_250 {strides = array<i32>} : memref<16384xi32, #tpu.memory_space<vmem>>, vector<16xi32>,
      %add3A_253 = arith.constant 416 : i32
      %add3A_254 = arith.addi %mul3A_48, %add3A_253 : i32
      %get3A_255 = arith.index_cast %add3A_254 : i32 to index
      %get3A_256 = tpu.vector_load %arg6[%get3A_255] {strides = array<i32>} : memref<16384xi32, #tpu.memory_space<vmem>>, vector<16xi32>,
      %gather3A_257 = tpu.vector_load_idx %arg5[%get3A_256] : memref<100000xf32, #tpu.memory_space<vmem>>[vector<16xi32>], vector<16xf32>,
      %bitcast3A_258 = vector.bitcast %gather3A_257 : vector<16xf32> to vector<16xi32>
      %swap3A_259 = arith.index_cast %add3A_254 : i32 to index
      %swap3A_260 = tpu.vector_load %arg6[%swap3A_259] {strides = array<i32>} : memref<16384xi32, #tpu.memory_space<vmem>>, vector<16xi32>,
      tpu.vector_store %arg6[%swap3A_259], %bitcast3A_258 {strides = array<i32>} : memref<16384xi32, #tpu.memory_space<vmem>>, vector<16xi32>,
      %add3A_261 = arith.constant 432 : i32
      %add3A_262 = arith.addi %mul3A_48, %add3A_261 : i32
      %get3A_263 = arith.index_cast %add3A_262 : i32 to index
      %get3A_264 = tpu.vector_load %arg6[%get3A_263] {strides = array<i32>} : memref<16384xi32, #tpu.memory_space<vmem>>, vector<16xi32>,
      %gather3A_265 = tpu.vector_load_idx %arg5[%get3A_264] : memref<100000xf32, #tpu.memory_space<vmem>>[vector<16xi32>], vector<16xf32>,
      %bitcast3A_266 = vector.bitcast %gather3A_265 : vector<16xf32> to vector<16xi32>
      %swap3A_267 = arith.index_cast %add3A_262 : i32 to index
      %swap3A_268 = tpu.vector_load %arg6[%swap3A_267] {strides = array<i32>} : memref<16384xi32, #tpu.memory_space<vmem>>, vector<16xi32>,
      tpu.vector_store %arg6[%swap3A_267], %bitcast3A_266 {strides = array<i32>} : memref<16384xi32, #tpu.memory_space<vmem>>, vector<16xi32>,
      %add3A_269 = arith.constant 448 : i32
      %add3A_270 = arith.addi %mul3A_48, %add3A_269 : i32
      %get3A_271 = arith.index_cast %add3A_270 : i32 to index
      %get3A_272 = tpu.vector_load %arg6[%get3A_271] {strides = array<i32>} : memref<16384xi32, #tpu.memory_space<vmem>>, vector<16xi32>,
      %gather3A_273 = tpu.vector_load_idx %arg5[%get3A_272] : memref<100000xf32, #tpu.memory_space<vmem>>[vector<16xi32>], vector<16xf32>,
      %bitcast3A_274 = vector.bitcast %gather3A_273 : vector<16xf32> to vector<16xi32>
      %swap3A_275 = arith.index_cast %add3A_270 : i32 to index
      %swap3A_276 = tpu.vector_load %arg6[%swap3A_275] {strides = array<i32>} : memref<16384xi32, #tpu.memory_space<vmem>>, vector<16xi32>,
      tpu.vector_store %arg6[%swap3A_275], %bitcast3A_274 {strides = array<i32>} : memref<16384xi32, #tpu.memory_space<vmem>>, vector<16xi32>,
      %add3A_277 = arith.constant 464 : i32
      %add3A_278 = arith.addi %mul3A_48, %add3A_277 : i32
      %get3A_279 = arith.index_cast %add3A_278 : i32 to index
      %get3A_280 = tpu.vector_load %arg6[%get3A_279] {strides = array<i32>} : memref<16384xi32, #tpu.memory_space<vmem>>, vector<16xi32>,
      %gather3A_281 = tpu.vector_load_idx %arg5[%get3A_280] : memref<100000xf32, #tpu.memory_space<vmem>>[vector<16xi32>], vector<16xf32>,
      %bitcast3A_282 = vector.bitcast %gather3A_281 : vector<16xf32> to vector<16xi32>
      %swap3A_283 = arith.index_cast %add3A_278 : i32 to index
      %swap3A_284 = tpu.vector_load %arg6[%swap3A_283] {strides = array<i32>} : memref<16384xi32, #tpu.memory_space<vmem>>, vector<16xi32>,
      tpu.vector_store %arg6[%swap3A_283], %bitcast3A_282 {strides = array<i32>} : memref<16384xi32, #tpu.memory_space<vmem>>, vector<16xi32>,
      %add3A_285 = arith.constant 480 : i32
      %add3A_286 = arith.addi %mul3A_48, %add3A_285 : i32
      %get3A_287 = arith.index_cast %add3A_286 : i32 to index
      %get3A_288 = tpu.vector_load %arg6[%get3A_287] {strides = array<i32>} : memref<16384xi32, #tpu.memory_space<vmem>>, vector<16xi32>,
      %gather3A_289 = tpu.vector_load_idx %arg5[%get3A_288] : memref<100000xf32, #tpu.memory_space<vmem>>[vector<16xi32>], vector<16xf32>,
      %bitcast3A_290 = vector.bitcast %gather3A_289 : vector<16xf32> to vector<16xi32>
      %swap3A_291 = arith.index_cast %add3A_286 : i32 to index
      %swap3A_292 = tpu.vector_load %arg6[%swap3A_291] {strides = array<i32>} : memref<16384xi32, #tpu.memory_space<vmem>>, vector<16xi32>,
      tpu.vector_store %arg6[%swap3A_291], %bitcast3A_290 {strides = array<i32>} : memref<16384xi32, #tpu.memory_space<vmem>>, vector<16xi32>,
      %add3A_293 = arith.constant 496 : i32
      %add3A_294 = arith.addi %mul3A_48, %add3A_293 : i32
      %get3A_295 = arith.index_cast %add3A_294 : i32 to index
      %get3A_296 = tpu.vector_load %arg6[%get3A_295] {strides = array<i32>} : memref<16384xi32, #tpu.memory_space<vmem>>, vector<16xi32>,
      %gather3A_297 = tpu.vector_load_idx %arg5[%get3A_296] : memref<100000xf32, #tpu.memory_space<vmem>>[vector<16xi32>], vector<16xf32>,
      %bitcast3A_298 = vector.bitcast %gather3A_297 : vector<16xf32> to vector<16xi32>
      %swap3A_299 = arith.index_cast %add3A_294 : i32 to index
      %swap3A_300 = tpu.vector_load %arg6[%swap3A_299] {strides = array<i32>} : memref<16384xi32, #tpu.memory_space<vmem>>, vector<16xi32>,
      tpu.vector_store %arg6[%swap3A_299], %bitcast3A_298 {strides = array<i32>} : memref<16384xi32, #tpu.memory_space<vmem>>, vector<16xi32>,
      %add3A_301 = arith.constant 1 : i32
      %add3A_302 = arith.addi %scan3A_46, %add3A_301 : i32
      scf.yield %add3A_302 : i32
    }
    %scan3A_44 = arith.constant 32 : i32
    "tpu.region"() ({
      %run_scoped3A = tpu.sem_alloc : memref<!tpu.dma_semaphore, #tpu.memory_space<semaphore_mem>>
      %dma_start3A_45 = arith.constant 0 : i32
      %dma_start3A_46 = tpu.memref_slice %arg4[%sub3A_32, %dma_start3A_45] : memref<416x16384xi32, #tpu.memory_space<hbm>> -> memref<1x16384xi32, #tpu.memory_space<hbm>>
      %dma_start3A_47 = tpu.memref_squeeze %dma_start3A_46 : memref<1x16384xi32, #tpu.memory_space<hbm>> -> memref<16384xi32, #tpu.memory_space<hbm>>
      %dma_start3A_48 = arith.constant 0 : i32
      %dma_start3A_49 = tpu.memref_slice %arg4[%sub3A_32, %dma_start3A_48] : memref<416x16384xi32, #tpu.memory_space<hbm>> -> memref<1x16384xi32, #tpu.memory_space<hbm>>
      %dma_start3A_50 = tpu.memref_squeeze %dma_start3A_49 : memref<1x16384xi32, #tpu.memory_space<hbm>> -> memref<16384xi32, #tpu.memory_space<hbm>>
      tpu.enqueue_dma source(%arg6 : memref<16384xi32, #tpu.memory_space<vmem>>) target(%dma_start3A_50 : memref<16384xi32, #tpu.memory_space<hbm>>) target_semaphore(%run_scoped3A : memref<!tpu.dma_semaphore, #tpu.memory_space<semaphore_mem>>)
      %dma_wait3A_51 = arith.constant 0 : i32
      %dma_wait3A_52 = tpu.memref_slice %arg4[%sub3A_32, %dma_wait3A_51] : memref<416x16384xi32, #tpu.memory_space<hbm>> -> memref<1x16384xi32, #tpu.memory_space<hbm>>
      %dma_wait3A_53 = tpu.memref_squeeze %dma_wait3A_52 : memref<1x16384xi32, #tpu.memory_space<hbm>> -> memref<16384xi32, #tpu.memory_space<hbm>>
      %dma_wait3A_54 = arith.constant 0 : i32
      %dma_wait3A_55 = tpu.memref_slice %arg4[%sub3A_32, %dma_wait3A_54] : memref<416x16384xi32, #tpu.memory_space<hbm>> -> memref<1x16384xi32, #tpu.memory_space<hbm>>
      %dma_wait3A_56 = tpu.memref_squeeze %dma_wait3A_55 : memref<1x16384xi32, #tpu.memory_space<hbm>> -> memref<16384xi32, #tpu.memory_space<hbm>>
      tpu.wait_dma2 semaphore(%run_scoped3A : memref<!tpu.dma_semaphore, #tpu.memory_space<semaphore_mem>>) src(%arg6 : memref<16384xi32, #tpu.memory_space<vmem>>) dst(%dma_wait3A_56 : memref<16384xi32, #tpu.memory_space<hbm>>)
      tpu.yield
    }) : () -> ()
    return
  }
}

</mosaic_0001>

<sc_bundles>
// kernel: kernel.3.cloned.1.call-start
scs
__scs_entry_jumppad:
0x0: {  	(pc) =	sbr.rel $0x88, $3  }
0x1: {  	(tag) =	ssettag $0x0;
	lr =	simm.s32 $0x1  }
0x2: {  	[smem:$0x3F9F] =	sst lr;
	_ =	strace $0xD0000000  }
0x3: {  	_ = 	snop  }
0x4: {  	_ = 	snop  }
0x5: {  	_ = 	snop  }
0x6: {  	_ = 	snop  }
0x7: {  	_ = 	snop  }
__scs_overlays_trampoline_lowered:
0x8: {  	[smem:$0x3FAE] =	sst s0  }
0x9: {  	[smem:$0x3FAF] =	sst s1  }
0xa: {  	[smem:$0x3FB0] =	sst s2  }
0xb: {  	[smem:$0x3FB1] =	sst s3  }
0xc: {  	[smem:$0x3FB2] =	sst s4  }
0xd: {  	[smem:$0x3FB3] =	sst s5  }
0xe: {  	[smem:$0x3FB4] =	sst s6  }
0xf: {  	[smem:$0x3FB5] =	sst s7  }
0x10: {  	[smem:$0x3FB6] =	sst s8  }
0x11: {  	[smem:$0x3FB7] =	sst s9;
	s0 =	simm.s32 @!p0 $0x0  }
0x12: {  	s1 =	sld [smem:$0x3F9D];
	s0 =	simm.s32 @p0 $0x1  }
0x13: {  	[smem:$0x3FB8] =	sst s0;
	s0 =	simm.s32 @!p1 $0x0  }
0x14: {  	s2 =	sld [smem:$0x3F9C];
	s0 =	simm.s32 @p1 $0x1  }
0x15: {  	[smem:$0x3FB9] =	sst s0;
	s0 =	simm.s32 @!p2 $0x0  }
0x16: {  	s3 =	sld [smem:$0x3FDB];
	s0 =	simm.s32 @p2 $0x1  }
0x17: {  	s4 =	simm.s32 $0x1BF5;
	[smem:$0x3FBB] =	sst s0  }
0x18: {  	s0 =	sld [smem:$0x3F9E];
	_ =	swait.ge [sflag:s4], $0x0  }
0x19: {  	s7 =	sld [smem:$0x3F9F]  }
0x1a: {  	s8 =	sadd.s32 $0xFFFFE003, lr  }
0x1b: {  	s9 =	sadd.s32 $0xFFFFFEF7, lr;
	s5 =	simm.s32 $0xFFFFFFFF;
	p2 =	slt.u32 s8, $0xFFFFF086  }
0x1c: {  	p1 =	slt.u32 s9, $0xF7A;
	s5 =	simm.s32 @!p2 $0x0  }
0x1d: {  	s5 =	simm.s32 @p1 $0x1;
	p0 =	seq.s32 s7, s2  }
0x1e: {  	s7 =	smul.u32 @!p0 $0xF7A, s2;
	p2 =	seq.s32 @!p0 s5, $0x0  }
0x1f: {  	s9 =	smul.u32 $0xF7A, s1;
	s8 =	simm.s32 @!p0 $0x1BF5;
	p2 =	por !p2, p0  }
0x20: {  	[sflag:s8] =	ssyncset.s32 @!p0 $0xFFFFF086;
	s6 =	sadd.s32 @!p0 s3, s7;
	s7 =	simm.s32 @!p0 $0x108  }
0x21: {  	s3 =	sadd.s32 s3, s9;
	s6 =	sadd.s32 @!p0 $0x88, s6;
	s7 =	simm.s32 @p2 $0x1082  }
0x22: {  	[simem:s7], [sflag:s8] =	dma.local @!p0 [hbm:s6], $0xF7A  }
0x23: {  	s9 =	sor.u32 $0xD0000000, s2;
	s6 =	simm.s32 $0x108;
	_ =	swait.ge @!p0 [sflag:s8], $0x0  }
0x24: {  	s3 =	sadd.s32 $0x88, s3;
	s6 =	simm.s32 @!p1 $0x1082;
	[sflag:s4] =	ssyncset.s32 $0xFFFFF086  }
0x25: {  	[simem:s6], [sflag:s4] =	dma.local [hbm:s3], $0xF7A  }
0x26: {  	[smem:$0x3F9F] =	sst s1;
	(tag) =	ssettag s2;
	_ =	strace s9  }
0x27: {  	s1 =	sld [smem:$0x3FAF]  }
0x28: {  	s2 =	sld [smem:$0x3FB0]  }
0x29: {  	s4 =	sld [smem:$0x3FB2]  }
0x2a: {  	p0 =	seq.s32 s5, $0x0;
	s5 =	sld [smem:$0x3FB3]  }
0x2b: {  	s6 =	sld [smem:$0x3FB4]  }
0x2c: {  	s7 =	sld [smem:$0x3FB5]  }
0x2d: {  	s3 =	simm.s32 $0x108;
	s8 =	sld [smem:$0x3FB6]  }
0x2e: {  	s3 =	simm.s32 @!p0 $0x1082;
	s9 =	sld [smem:$0x3FB7]  }
0x2f: {  	lr =	sadd.s32 s0, s3;
	s0 =	sld [smem:$0x3FAE]  }
0x30: {  	s3 =	sld [smem:$0x3FB1]  }
0x31: {  	[smem:$0x3FBA] =	sst s10  }
0x32: {  	s10 =	sld [smem:$0x3FB8];
	_ =	sdelay $0x3  }
0x33: {  	p0 =	seq.s32 s10, $0x1;
	s10 =	sld [smem:$0x3FBA];
	_ =	sdelay $0x3  }
0x34: {  	[smem:$0x3FBA] =	sst s10  }
0x35: {  	s10 =	sld [smem:$0x3FB9];
	_ =	sdelay $0x3  }
0x36: {  	p1 =	seq.s32 s10, $0x1;
	s10 =	sld [smem:$0x3FBA];
	_ =	sdelay $0x3  }
0x37: {  	[smem:$0x3FBA] =	sst s10  }
0x38: {  	s10 =	sld [smem:$0x3FBB]  }
0x39: {  	_ = 	snop;
	(pc) =	sbr.ind lr, $3  }
0x3a: {  	_ = 	snop  }
0x3b: {  	_ = 	snop  }
0x3c: {  	p2 =	seq.s32 s10, $0x1;
	s10 =	sld [smem:$0x3FBA]  }
0x3d: {  	_ =	shalt  }
0x3e: {  	_ =	shalt  }
0x3f: {  	_ =	shalt  }
0x40: {  	_ =	shalt  }
0x41: {  	_ =	shalt  }
0x42: {  	_ =	shalt  }
0x43: {  	_ =	shalt  }
0x44: {  	_ =	shalt  }
0x45: {  	_ =	shalt  }
0x46: {  	_ =	shalt  }
0x47: {  	_ =	shalt  }
0x48: {  	_ =	shalt  }
0x49: {  	_ =	shalt  }
0x4a: {  	_ =	shalt  }
0x4b: {  	_ =	shalt  }
0x4c: {  	_ =	shalt  }
0x4d: {  	_ =	shalt  }
0x4e: {  	_ =	shalt  }
0x4f: {  	_ =	shalt  }
0x50: {  	_ =	shalt  }
0x51: {  	_ =	shalt  }
0x52: {  	_ =	shalt  }
0x53: {  	_ =	shalt  }
0x54: {  	_ =	shalt  }
0x55: {  	_ =	shalt  }
0x56: {  	_ =	shalt  }
0x57: {  	_ =	shalt  }
0x58: {  	_ =	shalt  }
0x59: {  	_ =	shalt  }
0x5a: {  	_ =	shalt  }
0x5b: {  	_ =	shalt  }
0x5c: {  	_ =	shalt  }
0x5d: {  	_ =	shalt  }
0x5e: {  	_ =	shalt  }
0x5f: {  	_ =	shalt  }
0x60: {  	_ =	shalt  }
0x61: {  	_ =	shalt  }
0x62: {  	_ =	shalt  }
0x63: {  	_ =	shalt  }
0x64: {  	_ =	shalt  }
0x65: {  	_ =	shalt  }
0x66: {  	_ =	shalt  }
0x67: {  	_ =	shalt  }
0x68: {  	_ =	shalt  }
0x69: {  	_ =	shalt  }
0x6a: {  	_ =	shalt  }
0x6b: {  	_ =	shalt  }
0x6c: {  	_ =	shalt  }
0x6d: {  	_ =	shalt  }
0x6e: {  	_ =	shalt  }
0x6f: {  	_ =	shalt  }
0x70: {  	_ =	shalt  }
0x71: {  	_ =	shalt  }
0x72: {  	_ =	shalt  }
0x73: {  	_ =	shalt  }
0x74: {  	_ =	shalt  }
0x75: {  	_ =	shalt  }
0x76: {  	_ =	shalt  }
0x77: {  	_ =	shalt  }
0x78: {  	_ =	shalt  }
0x79: {  	_ =	shalt  }
0x7a: {  	_ =	shalt  }
0x7b: {  	_ =	shalt  }
0x7c: {  	_ =	shalt  }
0x7d: {  	_ =	shalt  }
0x7e: {  	_ =	shalt  }
0x7f: {  	_ =	shalt  }
0x80: {  	_ =	shalt  }
0x81: {  	_ =	shalt  }
0x82: {  	_ =	shalt  }
0x83: {  	_ =	shalt  }
0x84: {  	_ =	shalt  }
0x85: {  	_ =	shalt  }
0x86: {  	_ =	shalt  }
0x87: {  	_ =	shalt  }
.Lfunc_end0:
.L_simem_size_0:
called_computation_lowered:
.L_overlay_start_0:
0x88: {  	s2 =	sld [smem:$0x3FD9]  }
0x89: {  	s3 =	sld [smem:$0x3FFE];
	_ =	sdelay $0x1  }
0x8a: {  	s1 =	srdreg.scid  }
0x8b: {  	s0 =	sand.u32 $0x1, s1  }
0x8c: {  	s18 =	sshll.u32 s0, $0xA;
	s2 =	sadd.s32 s3, s2  }
0x8d: {  	s2 =	sadd.s32 s2, s18  }
0x8e: {  	[smem:$0x3FC6] =	sst s2  }
0x8f: {  	_ = 	snop  }
0x90: {  	s2 =	sld [smem:$0x3FC9]  }
0x91: {  	s19 =	sld [smem:$0x3FC8]  }
0x92: {  	s4 =	sld [smem:$0x3FD0];
	(tm) =	ssettm $0x1  }
0x93: {  	s5 =	sld [smem:$0x3FFB];
	_ =	sdelay $0x3  }
0x94: {  	_ =	strace s5  }
0x95: {  	s5 =	sld [smem:$0x3FFC];
	_ =	sdelay $0x3  }
0x96: {  	_ =	strace s5  }
0x97: {  	s5 =	sld [smem:$0x3FFD];
	_ =	sdelay $0x3  }
0x98: {  	_ =	strace s5  }
0x99: {  	_ =	strace $0x8FFFFFFF  }
0x9a: {  	s20 =	sld [smem:$0x3FDB];
	_ =	sdelay $0x1  }
0x9b: {  	s6 =	simm.s32 $_scs_section_size  }
0x9c: {  	s7 =	simm.s32 $_size__tile_overlayer_lowered;
	s8 =	simm.s32 $_tile_overlayer_lowered  }
0x9d: {  	s23 =	simm.s32 $0x1BFF;
	s22 =	sshll.u32 s8, $0x1;
	s5 =	sadd.s32 s6, s20  }
0x9e: {  	s9 =	simm.s32 $0x0;
	s21 =	sshll.u32 s7, $0x1;
	s7 =	sadd.s32 s22, s5  }
0x9f: {  	[timem:s9], [sflag:s23] =	dma.local [hbm:s7], s21  }
0xa0: {  	_ =	swait.ge [sflag:s23], s21  }
0xa1: {  	s6 =	ssub.s32 $0x0, s21;
	[sflag:s23] =	ssyncset.done $0x0  }
0xa2: {  	[sflag:s23] =	ssyncadd.s32 s6;
	_ =	sdelay $0x1  }
0xa3: {  	s24 =	simm.s32 $0x1B8B  }
0xa4: {  	_ =	swait.ge [sflag:s24], $0x1  }
0xa5: {  	[sflag:s24] =	ssyncset.done $0x0  }
0xa6: {  	s25 =	simm.s32 $0x1B8E;
	[sflag:s24] =	ssyncadd.s32 $0xFFFFFFFF  }
0xa7: {  	s26 =	simm.s32 $execute0_lowered;
	[smem:$0x3FD2] =	sst s25  }
0xa8: {  	s6 =	sshll.u32 s26, $0x1;
	_ =	strace $0x80000046;
	[dreg:$0x1] =	wrdreg $0xFFFFFFFF  }
0xa9: {  	s28 =	simm.s32 $_size_execute0_lowered;
	s5 =	sadd.s32 s5, s6;
	[dreg:$0x0] =	wrdreg $0x0  }
0xaa: {  	s6 =	sshll.u32 s28, $0x1;
	[dreg:$0x2] =	wrdreg s5  }
0xab: {  	[dreg:$0x3] =	wrdreg s6  }
0xac: {  	[dreg:$0x4] =	wrdreg $0xC0  }
0xad: {  	_ =	task [dreg:s9], $0x5FFFF  }
0xae: {  	[dreg:$0x1] =	wrdreg $0xFFFFFFFF  }
0xaf: {  	[dreg:$0x0] =	wrdreg $0x60  }
0xb0: {  	[dreg:$0x2] =	wrdreg s19  }
0xb1: {  	[dreg:$0x3] =	wrdreg s2  }
0xb2: {  	[dreg:$0x4] =	wrdreg s4  }
0xb3: {  	[dreg:$0x5] =	wrdreg $0x9  }
0xb4: {  	_ =	task.clear_ibuf [dreg:s9], $0x6FFFF;
	_ =	strace $0x90000046  }
0xb5: {  	s29 =	simm.s32 $0x9;
	_ =	strace $0x80000048  }
0xb6: {  	_ =	swait.ge [sflag:s29], $0x1  }
0xb7: {  	[sflag:s29] =	ssyncadd.s32 $0xFFFFFFFF  }
0xb8: {  	_ =	strace $0x90000048  }
0xb9: {  	_ =	sfence  }
0xba: {  	s30 =	sld [smem:$0x0];
	_ =	sdelay $0x2  }
0xbb: {  	s31 =	sshll.u32 s1, $0xD;
	s1 =	sshrl.u32 s1, $0x2  }
0xbc: {  	s3 =	sand.u32 $0x4000, s31;
	s1 =	sadd.s32 s1, s30  }
0xbd: {  	s0 =	sor.u32 s3, s0;
	s1 =	sshll.u32 s1, $0x11  }
0xbe: {  	s0 =	sor.u32 s1, s0  }
0xbf: {  	s0 =	sadd.s32 $0x8F2B, s0  }
0xc0: {  	[sflag:s0] =	ssyncadd.remote.s32 $0x1  }
0xc1: {  	_ =	sfence.sel $0xFFFF  }
0xc2: {  	[dreg:$0x0] =	wrdreg $0xFFFFFFFF;
	(pc) =	sbr.abs _section_cstart, $3  }
0xc3: {  	[dreg:$0x1] =	wrdreg $0xFFFFFFFF  }
0xc4: {  	_ =	task.clear_ibuf [dreg:s9], $0x2FFFF;
	_ =	strace $0x9FFFFFFF  }
0xc5: {  	(tm) =	ssettm $0x7FFFFFFF  }
tec
execute0_lowered:
.L_overlay_start_1:
0x0: {  	(tag) =	ssettag $0x1  }
0x1: {  	s1 =	rddreg [dreg:$0x0]  }
0x2: {  	s2 =	srdreg.scid;
	s3 =	rddreg [dreg:$0x1]  }
0x3: {  	s0 =	stileid.u32;
	s4 =	rddreg [dreg:$0x2];
	s6 =	simm.s32 $0x0  }
0x4: {  	s13 =	simm.s32 $0x18700;
	s7 =	sand.u32 $0x1, s2;
	s26 =	sshll.u32 s0, $0x1  }
0x5: {  	s14 =	simm.s32 $0x2;
	s15 =	simm.s32 $0x1;
	s8 =	sor.u32 s7, s26  }
0x6: {  	s16 =	simm.s32 $0x0;
	s2 =	rddreg [dreg:$0x3];
	s5 =	smul.u32 $0xD, s8  }
0x7: {  	[smem:$0x7FF] =	sst s6;
	s7 =	ssub.s32 $0x2, s7;
	s10 =	smul.u32 $0x280, s8  }
0x8: {  	_ =	strace $0x80000047;
	s11 =	sshrl.u32 s7, $0x1;
	s8 =	smul.u32 $0x680, s8  }
0x9: {  	s28 =	ssub.s32 s7, s11;
	s9 =	sshrl.u32 s5, $0x3;
	s10 =	sand.u32 $0x380, s10  }
0xa: {  	s30 =	sadd.s32 $0xC, s5;
	s12 =	sand.u32 $0x70, s5;
	s9 =	smul.u32 $0xC3800, s9  }
0xb: {  	s8 =	sand.u32 $0xC000, s8;
	s31 =	sshll.u32 s30, $0x4;
	s12 =	sadd.s32 s3, s12  }
0xc: {  	s11 =	sand.u32 $0x70, s31;
	s8 =	sadd.s32 s8, s12;
	s9 =	sor.u32 s10, s9  }
0xd: {  	s12 =	simm.s32 $0x400;
	s29 =	sshrl.u32 s9, $0x3;
	s9 =	sshll.u32 s30, $0xB  }
0xe: {  	s11 =	sadd.s32 s4, s11;
	s10 =	smax.u32 s28, $0x1;
	s9 =	sand.u32 $0x1FC000, s9  }
0xf: {  	s7 =	sadd.s32 s1, s29;
	s9 =	sadd.s32 s9, s11;
	s11 =	simm.s32 $0x80  }
.LBB2_1:
0x10: {  	[tilespmem:s6], [sflag:$0x1] =	stream.strided.gather [hbm4b:s7+s11], $0x18700, s12, s11, $0x38;
	[tilespmem:$0x1C700] =	vst v63  }
0x11: {  	_ = 	snop  }
0x12: {  	[tilespmem:s13], [sflag:$0x2] =	stream.strided.gather [hbm4b:s8+s11], $0x4000, s12, s11, $0x38;
	[tilespmem:$0x1C700] =	vst v63  }
0x13: {  	_ =	swait.ge [sflag:s14], $0x4000  }
0x14: {  	[sflag:s14] =	ssyncset.done $0x0  }
0x15: {  	s17 =	simm.s32 $0x0;
	[sflag:s14] =	ssyncadd.s32 $0xFFFFC000  }
.LBB2_2:
0x16: {  	_ =	swait.ge [sflag:s15], $0x18700  }
0x17: {  	[sflag:s15] =	ssyncset.done $0x0  }
0x18: {  	s18 =	simm.s32 $0x0;
	[sflag:s15] =	ssyncadd.s32 $0xFFFE7900  }
0x19: {  	v0 =	vld [tilespmem:s18+$0x18700];
	_ =	sdelay $0x5  }
0x1a: {  	v1 =	vld [tilespmem:s18+$0x18710];
	_ =	sdelay $0x1  }
0x1b: {  	v0 =	vld.idx.msk [tilespmem:v0+s6+$0x0], $0xffff;
	_ =	sdelay $0x4  }
0x1c: {  	[tilespmem:s18+$0x18700] =	vst v0;
	v0 =	vld [tilespmem:s18+$0x18720]  }
0x1d: {  	v1 =	vld.idx.msk [tilespmem:v1+s6+$0x0], $0xffff;
	_ =	sdelay $0x4  }
0x1e: {  	[tilespmem:s18+$0x18710] =	vst v1;
	v1 =	vld [tilespmem:s18+$0x18730];
	_ =	sdelay $0x1  }
0x1f: {  	v0 =	vld.idx.msk [tilespmem:v0+s6+$0x0], $0xffff;
	_ =	sdelay $0x4  }
0x20: {  	[tilespmem:s18+$0x18720] =	vst v0;
	v0 =	vld [tilespmem:s18+$0x18740]  }
0x21: {  	v1 =	vld.idx.msk [tilespmem:v1+s6+$0x0], $0xffff;
	_ =	sdelay $0x4  }
0x22: {  	[tilespmem:s18+$0x18730] =	vst v1;
	v1 =	vld [tilespmem:s18+$0x18750];
	_ =	sdelay $0x1  }
0x23: {  	v0 =	vld.idx.msk [tilespmem:v0+s6+$0x0], $0xffff;
	_ =	sdelay $0x4  }
0x24: {  	[tilespmem:s18+$0x18740] =	vst v0;
	v0 =	vld [tilespmem:s18+$0x18760]  }
0x25: {  	v1 =	vld.idx.msk [tilespmem:v1+s6+$0x0], $0xffff;
	_ =	sdelay $0x4  }
0x26: {  	[tilespmem:s18+$0x18750] =	vst v1;
	v1 =	vld [tilespmem:s18+$0x18770];
	_ =	sdelay $0x1  }
0x27: {  	v0 =	vld.idx.msk [tilespmem:v0+s6+$0x0], $0xffff;
	_ =	sdelay $0x4  }
0x28: {  	[tilespmem:s18+$0x18760] =	vst v0;
	v0 =	vld [tilespmem:s18+$0x18780]  }
0x29: {  	v1 =	vld.idx.msk [tilespmem:v1+s6+$0x0], $0xffff;
	_ =	sdelay $0x4  }
0x2a: {  	[tilespmem:s18+$0x18770] =	vst v1;
	v1 =	vld [tilespmem:s18+$0x18790];
	_ =	sdelay $0x1  }
0x2b: {  	v0 =	vld.idx.msk [tilespmem:v0+s6+$0x0], $0xffff;
	_ =	sdelay $0x4  }
0x2c: {  	[tilespmem:s18+$0x18780] =	vst v0;
	v0 =	vld [tilespmem:s18+$0x187A0]  }
0x2d: {  	v1 =	vld.idx.msk [tilespmem:v1+s6+$0x0], $0xffff;
	_ =	sdelay $0x4  }
0x2e: {  	[tilespmem:s18+$0x18790] =	vst v1;
	v1 =	vld [tilespmem:s18+$0x187B0];
	_ =	sdelay $0x1  }
0x2f: {  	v0 =	vld.idx.msk [tilespmem:v0+s6+$0x0], $0xffff;
	_ =	sdelay $0x4  }
0x30: {  	[tilespmem:s18+$0x187A0] =	vst v0;
	v0 =	vld [tilespmem:s18+$0x187C0]  }
0x31: {  	v1 =	vld.idx.msk [tilespmem:v1+s6+$0x0], $0xffff;
	_ =	sdelay $0x4  }
0x32: {  	[tilespmem:s18+$0x187B0] =	vst v1;
	v1 =	vld [tilespmem:s18+$0x187D0];
	_ =	sdelay $0x1  }
0x33: {  	v0 =	vld.idx.msk [tilespmem:v0+s6+$0x0], $0xffff;
	_ =	sdelay $0x4  }
0x34: {  	[tilespmem:s18+$0x187C0] =	vst v0;
	v0 =	vld [tilespmem:s18+$0x187E0]  }
0x35: {  	v1 =	vld.idx.msk [tilespmem:v1+s6+$0x0], $0xffff;
	_ =	sdelay $0x4  }
0x36: {  	[tilespmem:s18+$0x187D0] =	vst v1;
	v1 =	vld [tilespmem:s18+$0x187F0];
	_ =	sdelay $0x1  }
0x37: {  	v0 =	vld.idx.msk [tilespmem:v0+s6+$0x0], $0xffff;
	_ =	sdelay $0x4  }
0x38: {  	[tilespmem:s18+$0x187E0] =	vst v0;
	v0 =	vld [tilespmem:s18+$0x18800]  }
0x39: {  	v1 =	vld.idx.msk [tilespmem:v1+s6+$0x0], $0xffff;
	_ =	sdelay $0x4  }
0x3a: {  	[tilespmem:s18+$0x187F0] =	vst v1;
	v1 =	vld [tilespmem:s18+$0x18810];
	_ =	sdelay $0x1  }
0x3b: {  	v0 =	vld.idx.msk [tilespmem:v0+s6+$0x0], $0xffff;
	_ =	sdelay $0x4  }
0x3c: {  	[tilespmem:s18+$0x18800] =	vst v0;
	v0 =	vld [tilespmem:s18+$0x18820]  }
0x3d: {  	v1 =	vld.idx.msk [tilespmem:v1+s6+$0x0], $0xffff;
	_ =	sdelay $0x4  }
0x3e: {  	[tilespmem:s18+$0x18810] =	vst v1;
	v1 =	vld [tilespmem:s18+$0x18830];
	_ =	sdelay $0x1  }
0x3f: {  	v0 =	vld.idx.msk [tilespmem:v0+s6+$0x0], $0xffff;
	_ =	sdelay $0x4  }
0x40: {  	[tilespmem:s18+$0x18820] =	vst v0;
	v0 =	vld [tilespmem:s18+$0x18840]  }
0x41: {  	v1 =	vld.idx.msk [tilespmem:v1+s6+$0x0], $0xffff;
	_ =	sdelay $0x4  }
0x42: {  	[tilespmem:s18+$0x18830] =	vst v1;
	v1 =	vld [tilespmem:s18+$0x18850];
	_ =	sdelay $0x1  }
0x43: {  	v0 =	vld.idx.msk [tilespmem:v0+s6+$0x0], $0xffff;
	_ =	sdelay $0x4  }
0x44: {  	[tilespmem:s18+$0x18840] =	vst v0;
	v0 =	vld [tilespmem:s18+$0x18860]  }
0x45: {  	v1 =	vld.idx.msk [tilespmem:v1+s6+$0x0], $0xffff;
	_ =	sdelay $0x4  }
0x46: {  	[tilespmem:s18+$0x18850] =	vst v1;
	v1 =	vld [tilespmem:s18+$0x18870];
	_ =	sdelay $0x1  }
0x47: {  	v0 =	vld.idx.msk [tilespmem:v0+s6+$0x0], $0xffff;
	_ =	sdelay $0x4  }
0x48: {  	[tilespmem:s18+$0x18860] =	vst v0;
	v0 =	vld [tilespmem:s18+$0x18880]  }
0x49: {  	v1 =	vld.idx.msk [tilespmem:v1+s6+$0x0], $0xffff;
	_ =	sdelay $0x4  }
0x4a: {  	[tilespmem:s18+$0x18870] =	vst v1;
	v1 =	vld [tilespmem:s18+$0x18890];
	_ =	sdelay $0x1  }
0x4b: {  	v0 =	vld.idx.msk [tilespmem:v0+s6+$0x0], $0xffff;
	_ =	sdelay $0x4  }
0x4c: {  	[tilespmem:s18+$0x18880] =	vst v0;
	v0 =	vld [tilespmem:s18+$0x188A0]  }
0x4d: {  	v1 =	vld.idx.msk [tilespmem:v1+s6+$0x0], $0xffff;
	_ =	sdelay $0x4  }
0x4e: {  	[tilespmem:s18+$0x18890] =	vst v1;
	v1 =	vld [tilespmem:s18+$0x188B0];
	_ =	sdelay $0x1  }
0x4f: {  	v0 =	vld.idx.msk [tilespmem:v0+s6+$0x0], $0xffff;
	_ =	sdelay $0x4  }
0x50: {  	[tilespmem:s18+$0x188A0] =	vst v0;
	v0 =	vld [tilespmem:s18+$0x188C0]  }
0x51: {  	v1 =	vld.idx.msk [tilespmem:v1+s6+$0x0], $0xffff;
	_ =	sdelay $0x4  }
0x52: {  	[tilespmem:s18+$0x188B0] =	vst v1;
	v1 =	vld [tilespmem:s18+$0x188D0];
	_ =	sdelay $0x1  }
0x53: {  	v0 =	vld.idx.msk [tilespmem:v0+s6+$0x0], $0xffff;
	_ =	sdelay $0x4  }
0x54: {  	v2 =	vld [tilespmem:s18+$0x188E0];
	[tilespmem:s18+$0x188C0] =	vst v0  }
0x55: {  	v0 =	vld.idx.msk [tilespmem:v1+s6+$0x0], $0xffff;
	_ =	sdelay $0x4  }
0x56: {  	[tilespmem:s18+$0x188D0] =	vst v0;
	v0 =	vld [tilespmem:s18+$0x188F0];
	_ =	sdelay $0x1  }
0x57: {  	v1 =	vld.idx.msk [tilespmem:v2+s6+$0x0], $0xffff;
	_ =	sdelay $0x3  }
0x58: {  	s20 =	simm.s32 $0x200;
	s19 =	simm.s32 $0x1000  }
.LBB2_3:
0x59: {  	p0 =	sne.s32 s19, $0xF800;
	v2 =	vld [tilespmem:s20+$0x18700];
	[tilespmem:s18+$0x188E0] =	vst v1  }
0x5a: {  	v0 =	vld.idx.msk [tilespmem:v0+s6+$0x0], $0xffff;
	_ =	sdelay $0x5  }
0x5b: {  	v1 =	vld [tilespmem:s20+$0x18710];
	[tilespmem:s18+$0x188F0] =	vst v0;
	s18 =	smov.u32 s20  }
0x5c: {  	v0 =	vld.idx.msk [tilespmem:v2+s6+$0x0], $0xffff;
	_ =	sdelay $0x5  }
0x5d: {  	[tilespmem:s18+$0x18700] =	vst v0;
	v0 =	vld [tilespmem:s18+$0x18720]  }
0x5e: {  	v1 =	vld.idx.msk [tilespmem:v1+s6+$0x0], $0xffff;
	_ =	sdelay $0x5  }
0x5f: {  	[tilespmem:s18+$0x18710] =	vst v1;
	v1 =	vld [tilespmem:s18+$0x18730]  }
0x60: {  	v0 =	vld.idx.msk [tilespmem:v0+s6+$0x0], $0xffff;
	_ =	sdelay $0x5  }
0x61: {  	[tilespmem:s18+$0x18720] =	vst v0;
	v0 =	vld [tilespmem:s18+$0x18740]  }
0x62: {  	v1 =	vld.idx.msk [tilespmem:v1+s6+$0x0], $0xffff;
	_ =	sdelay $0x5  }
0x63: {  	[tilespmem:s18+$0x18730] =	vst v1;
	v1 =	vld [tilespmem:s18+$0x18750]  }
0x64: {  	v0 =	vld.idx.msk [tilespmem:v0+s6+$0x0], $0xffff;
	_ =	sdelay $0x5  }
0x65: {  	[tilespmem:s18+$0x18740] =	vst v0;
	v0 =	vld [tilespmem:s18+$0x18760]  }
0x66: {  	v1 =	vld.idx.msk [tilespmem:v1+s6+$0x0], $0xffff;
	_ =	sdelay $0x5  }
0x67: {  	[tilespmem:s18+$0x18750] =	vst v1;
	v1 =	vld [tilespmem:s18+$0x18770]  }
0x68: {  	v0 =	vld.idx.msk [tilespmem:v0+s6+$0x0], $0xffff;
	_ =	sdelay $0x5  }
0x69: {  	[tilespmem:s18+$0x18760] =	vst v0;
	v0 =	vld [tilespmem:s18+$0x18780]  }
0x6a: {  	v1 =	vld.idx.msk [tilespmem:v1+s6+$0x0], $0xffff;
	_ =	sdelay $0x5  }
0x6b: {  	[tilespmem:s18+$0x18770] =	vst v1;
	v1 =	vld [tilespmem:s18+$0x18790]  }
0x6c: {  	v0 =	vld.idx.msk [tilespmem:v0+s6+$0x0], $0xffff;
	_ =	sdelay $0x5  }
0x6d: {  	[tilespmem:s18+$0x18780] =	vst v0;
	v0 =	vld [tilespmem:s18+$0x187A0]  }
0x6e: {  	v1 =	vld.idx.msk [tilespmem:v1+s6+$0x0], $0xffff;
	_ =	sdelay $0x5  }
0x6f: {  	[tilespmem:s18+$0x18790] =	vst v1;
	v1 =	vld [tilespmem:s18+$0x187B0]  }
0x70: {  	v0 =	vld.idx.msk [tilespmem:v0+s6+$0x0], $0xffff;
	_ =	sdelay $0x5  }
0x71: {  	[tilespmem:s18+$0x187A0] =	vst v0;
	v0 =	vld [tilespmem:s18+$0x187C0]  }
0x72: {  	v1 =	vld.idx.msk [tilespmem:v1+s6+$0x0], $0xffff;
	_ =	sdelay $0x5  }
0x73: {  	[tilespmem:s18+$0x187B0] =	vst v1;
	v1 =	vld [tilespmem:s18+$0x187D0]  }
0x74: {  	v0 =	vld.idx.msk [tilespmem:v0+s6+$0x0], $0xffff;
	_ =	sdelay $0x5  }
0x75: {  	[tilespmem:s18+$0x187C0] =	vst v0;
	v0 =	vld [tilespmem:s18+$0x187E0]  }
0x76: {  	v1 =	vld.idx.msk [tilespmem:v1+s6+$0x0], $0xffff;
	_ =	sdelay $0x5  }
0x77: {  	[tilespmem:s18+$0x187D0] =	vst v1;
	v1 =	vld [tilespmem:s18+$0x187F0]  }
0x78: {  	v0 =	vld.idx.msk [tilespmem:v0+s6+$0x0], $0xffff;
	_ =	sdelay $0x5  }
0x79: {  	[tilespmem:s18+$0x187E0] =	vst v0;
	v0 =	vld [tilespmem:s18+$0x18800]  }
0x7a: {  	v1 =	vld.idx.msk [tilespmem:v1+s6+$0x0], $0xffff;
	_ =	sdelay $0x5  }
0x7b: {  	[tilespmem:s18+$0x187F0] =	vst v1;
	v1 =	vld [tilespmem:s18+$0x18810]  }
0x7c: {  	v0 =	vld.idx.msk [tilespmem:v0+s6+$0x0], $0xffff;
	_ =	sdelay $0x5  }
0x7d: {  	[tilespmem:s18+$0x18800] =	vst v0;
	v0 =	vld [tilespmem:s18+$0x18820]  }
0x7e: {  	v1 =	vld.idx.msk [tilespmem:v1+s6+$0x0], $0xffff;
	_ =	sdelay $0x5  }
0x7f: {  	[tilespmem:s18+$0x18810] =	vst v1;
	v1 =	vld [tilespmem:s18+$0x18830]  }
0x80: {  	v0 =	vld.idx.msk [tilespmem:v0+s6+$0x0], $0xffff;
	_ =	sdelay $0x5  }
0x81: {  	[tilespmem:s18+$0x18820] =	vst v0;
	v0 =	vld [tilespmem:s18+$0x18840]  }
0x82: {  	v1 =	vld.idx.msk [tilespmem:v1+s6+$0x0], $0xffff;
	_ =	sdelay $0x5  }
0x83: {  	[tilespmem:s18+$0x18830] =	vst v1;
	v1 =	vld [tilespmem:s18+$0x18850]  }
0x84: {  	v0 =	vld.idx.msk [tilespmem:v0+s6+$0x0], $0xffff;
	_ =	sdelay $0x5  }
0x85: {  	[tilespmem:s18+$0x18840] =	vst v0;
	v0 =	vld [tilespmem:s18+$0x18860]  }
0x86: {  	v1 =	vld.idx.msk [tilespmem:v1+s6+$0x0], $0xffff;
	_ =	sdelay $0x5  }
0x87: {  	[tilespmem:s18+$0x18850] =	vst v1;
	v1 =	vld [tilespmem:s18+$0x18870]  }
0x88: {  	v0 =	vld.idx.msk [tilespmem:v0+s6+$0x0], $0xffff;
	_ =	sdelay $0x5  }
0x89: {  	[tilespmem:s18+$0x18860] =	vst v0;
	v0 =	vld [tilespmem:s18+$0x18880]  }
0x8a: {  	v1 =	vld.idx.msk [tilespmem:v1+s6+$0x0], $0xffff;
	_ =	sdelay $0x5  }
0x8b: {  	[tilespmem:s18+$0x18870] =	vst v1;
	v1 =	vld [tilespmem:s18+$0x18890]  }
0x8c: {  	v0 =	vld.idx.msk [tilespmem:v0+s6+$0x0], $0xffff;
	_ =	sdelay $0x5  }
0x8d: {  	[tilespmem:s18+$0x18880] =	vst v0;
	v0 =	vld [tilespmem:s18+$0x188A0]  }
0x8e: {  	v1 =	vld.idx.msk [tilespmem:v1+s6+$0x0], $0xffff;
	_ =	sdelay $0x5  }
0x8f: {  	[tilespmem:s18+$0x18890] =	vst v1;
	v1 =	vld [tilespmem:s18+$0x188B0]  }
0x90: {  	v0 =	vld.idx.msk [tilespmem:v0+s6+$0x0], $0xffff;
	_ =	sdelay $0x5  }
0x91: {  	[tilespmem:s18+$0x188A0] =	vst v0;
	v0 =	vld [tilespmem:s18+$0x188C0]  }
0x92: {  	v1 =	vld.idx.msk [tilespmem:v1+s6+$0x0], $0xffff;
	_ =	sdelay $0x5  }
0x93: {  	[tilespmem:s18+$0x188B0] =	vst v1;
	v1 =	vld [tilespmem:s18+$0x188D0]  }
0x94: {  	v0 =	vld.idx.msk [tilespmem:v0+s6+$0x0], $0xffff;
	_ =	sdelay $0x5  }
0x95: {  	[tilespmem:s18+$0x188C0] =	vst v0;
	v2 =	vld [tilespmem:s18+$0x188E0]  }
0x96: {  	v0 =	vld.idx.msk [tilespmem:v1+s6+$0x0], $0xffff;
	_ =	sdelay $0x5  }
0x97: {  	[tilespmem:s18+$0x188D0] =	vst v0;
	v0 =	vld [tilespmem:s18+$0x188F0]  }
0x98: {  	v1 =	vld.idx.msk [tilespmem:v2+s6+$0x0], $0xffff  }
.Ltmp0:
0x99: {  	(pc) =	sbr.rel @p0 .LBB2_3-.Ltmp0, $2  }
0x9a: {  	_ =	sdelay $0x2  }
0x9b: {  	s20 =	sshra.s32 s19, $0x2;
	s19 =	sadd.s32 $0x800, s19  }
0x9c: {  	_ =	sdelay $0x1  }
0x9d: {  	v2 =	vld [tilespmem:s20+$0x18700]  }
0x9e: {  	[tilespmem:s18+$0x188E0] =	vst v1  }
0x9f: {  	v0 =	vld.idx.msk [tilespmem:v0+s6+$0x0], $0xffff;
	_ =	sdelay $0x3  }
0xa0: {  	v1 =	vld [tilespmem:s20+$0x18710]  }
0xa1: {  	[tilespmem:s18+$0x188F0] =	vst v0  }
0xa2: {  	v0 =	vld.idx.msk [tilespmem:v2+s6+$0x0], $0xffff;
	_ =	sdelay $0x3  }
0xa3: {  	v34 =	vld [tilespmem:s20+$0x18720]  }
0xa4: {  	[tilespmem:s20+$0x18700] =	vst v0  }
0xa5: {  	v1 =	vld.idx.msk [tilespmem:v1+s6+$0x0], $0xffff;
	_ =	sdelay $0x3  }
0xa6: {  	v35 =	vld [tilespmem:s20+$0x18730]  }
0xa7: {  	[tilespmem:s20+$0x18710] =	vst v1  }
0xa8: {  	v0 =	vld.idx.msk [tilespmem:v34+s6+$0x0], $0xffff;
	_ =	sdelay $0x3  }
0xa9: {  	v36 =	vld [tilespmem:s20+$0x18740]  }
0xaa: {  	[tilespmem:s20+$0x18720] =	vst v0  }
0xab: {  	v1 =	vld.idx.msk [tilespmem:v35+s6+$0x0], $0xffff;
	_ =	sdelay $0x3  }
0xac: {  	v37 =	vld [tilespmem:s20+$0x18750]  }
0xad: {  	[tilespmem:s20+$0x18730] =	vst v1  }
0xae: {  	v0 =	vld.idx.msk [tilespmem:v36+s6+$0x0], $0xffff;
	_ =	sdelay $0x3  }
0xaf: {  	v38 =	vld [tilespmem:s20+$0x18760]  }
0xb0: {  	[tilespmem:s20+$0x18740] =	vst v0  }
0xb1: {  	v1 =	vld.idx.msk [tilespmem:v37+s6+$0x0], $0xffff;
	_ =	sdelay $0x3  }
0xb2: {  	v39 =	vld [tilespmem:s20+$0x18770]  }
0xb3: {  	[tilespmem:s20+$0x18750] =	vst v1  }
0xb4: {  	v0 =	vld.idx.msk [tilespmem:v38+s6+$0x0], $0xffff;
	_ =	sdelay $0x3  }
0xb5: {  	v40 =	vld [tilespmem:s20+$0x18780]  }
0xb6: {  	[tilespmem:s20+$0x18760] =	vst v0  }
0xb7: {  	v1 =	vld.idx.msk [tilespmem:v39+s6+$0x0], $0xffff;
	_ =	sdelay $0x3  }
0xb8: {  	v41 =	vld [tilespmem:s20+$0x18790]  }
0xb9: {  	[tilespmem:s20+$0x18770] =	vst v1  }
0xba: {  	v0 =	vld.idx.msk [tilespmem:v40+s6+$0x0], $0xffff;
	_ =	sdelay $0x3  }
0xbb: {  	v42 =	vld [tilespmem:s20+$0x187A0]  }
0xbc: {  	[tilespmem:s20+$0x18780] =	vst v0  }
0xbd: {  	v1 =	vld.idx.msk [tilespmem:v41+s6+$0x0], $0xffff;
	_ =	sdelay $0x3  }
0xbe: {  	v43 =	vld [tilespmem:s20+$0x187B0]  }
0xbf: {  	[tilespmem:s20+$0x18790] =	vst v1  }
0xc0: {  	v0 =	vld.idx.msk [tilespmem:v42+s6+$0x0], $0xffff;
	_ =	sdelay $0x3  }
0xc1: {  	v44 =	vld [tilespmem:s20+$0x187C0]  }
0xc2: {  	[tilespmem:s20+$0x187A0] =	vst v0  }
0xc3: {  	v1 =	vld.idx.msk [tilespmem:v43+s6+$0x0], $0xffff;
	_ =	sdelay $0x3  }
0xc4: {  	v45 =	vld [tilespmem:s20+$0x187D0]  }
0xc5: {  	[tilespmem:s20+$0x187B0] =	vst v1  }
0xc6: {  	v0 =	vld.idx.msk [tilespmem:v44+s6+$0x0], $0xffff;
	_ =	sdelay $0x3  }
0xc7: {  	v46 =	vld [tilespmem:s20+$0x187E0]  }
0xc8: {  	[tilespmem:s20+$0x187C0] =	vst v0  }
0xc9: {  	v1 =	vld.idx.msk [tilespmem:v45+s6+$0x0], $0xffff;
	_ =	sdelay $0x3  }
0xca: {  	v47 =	vld [tilespmem:s20+$0x187F0]  }
0xcb: {  	[tilespmem:s20+$0x187D0] =	vst v1  }
0xcc: {  	v0 =	vld.idx.msk [tilespmem:v46+s6+$0x0], $0xffff;
	_ =	sdelay $0x3  }
0xcd: {  	v48 =	vld [tilespmem:s20+$0x18800]  }
0xce: {  	[tilespmem:s20+$0x187E0] =	vst v0  }
0xcf: {  	v1 =	vld.idx.msk [tilespmem:v47+s6+$0x0], $0xffff;
	_ =	sdelay $0x3  }
0xd0: {  	v49 =	vld [tilespmem:s20+$0x18810]  }
0xd1: {  	[tilespmem:s20+$0x187F0] =	vst v1  }
0xd2: {  	v0 =	vld.idx.msk [tilespmem:v48+s6+$0x0], $0xffff;
	_ =	sdelay $0x3  }
0xd3: {  	v50 =	vld [tilespmem:s20+$0x18820]  }
0xd4: {  	[tilespmem:s20+$0x18800] =	vst v0  }
0xd5: {  	v1 =	vld.idx.msk [tilespmem:v49+s6+$0x0], $0xffff;
	_ =	sdelay $0x3  }
0xd6: {  	v51 =	vld [tilespmem:s20+$0x18830]  }
0xd7: {  	[tilespmem:s20+$0x18810] =	vst v1  }
0xd8: {  	v0 =	vld.idx.msk [tilespmem:v50+s6+$0x0], $0xffff;
	_ =	sdelay $0x3  }
0xd9: {  	v52 =	vld [tilespmem:s20+$0x18840]  }
0xda: {  	[tilespmem:s20+$0x18820] =	vst v0  }
0xdb: {  	v1 =	vld.idx.msk [tilespmem:v51+s6+$0x0], $0xffff;
	_ =	sdelay $0x3  }
0xdc: {  	v53 =	vld [tilespmem:s20+$0x18850]  }
0xdd: {  	[tilespmem:s20+$0x18830] =	vst v1  }
0xde: {  	v0 =	vld.idx.msk [tilespmem:v52+s6+$0x0], $0xffff;
	_ =	sdelay $0x3  }
0xdf: {  	v54 =	vld [tilespmem:s20+$0x18860]  }
0xe0: {  	[tilespmem:s20+$0x18840] =	vst v0  }
0xe1: {  	v1 =	vld.idx.msk [tilespmem:v53+s6+$0x0], $0xffff;
	_ =	sdelay $0x3  }
0xe2: {  	v55 =	vld [tilespmem:s20+$0x18870]  }
0xe3: {  	[tilespmem:s20+$0x18850] =	vst v1  }
0xe4: {  	v0 =	vld.idx.msk [tilespmem:v54+s6+$0x0], $0xffff;
	_ =	sdelay $0x3  }
0xe5: {  	v56 =	vld [tilespmem:s20+$0x18880]  }
0xe6: {  	[tilespmem:s20+$0x18860] =	vst v0  }
0xe7: {  	v1 =	vld.idx.msk [tilespmem:v55+s6+$0x0], $0xffff;
	_ =	sdelay $0x3  }
0xe8: {  	v57 =	vld [tilespmem:s20+$0x18890]  }
0xe9: {  	[tilespmem:s20+$0x18870] =	vst v1  }
0xea: {  	v0 =	vld.idx.msk [tilespmem:v56+s6+$0x0], $0xffff;
	_ =	sdelay $0x3  }
0xeb: {  	v58 =	vld [tilespmem:s20+$0x188A0]  }
0xec: {  	[tilespmem:s20+$0x18880] =	vst v0  }
0xed: {  	v1 =	vld.idx.msk [tilespmem:v57+s6+$0x0], $0xffff;
	_ =	sdelay $0x3  }
0xee: {  	v59 =	vld [tilespmem:s20+$0x188B0]  }
0xef: {  	[tilespmem:s20+$0x18890] =	vst v1  }
0xf0: {  	v0 =	vld.idx.msk [tilespmem:v58+s6+$0x0], $0xffff;
	_ =	sdelay $0x3  }
0xf1: {  	v60 =	vld [tilespmem:s20+$0x188C0]  }
0xf2: {  	[tilespmem:s20+$0x188A0] =	vst v0  }
0xf3: {  	v1 =	vld.idx.msk [tilespmem:v59+s6+$0x0], $0xffff;
	_ =	sdelay $0x3  }
0xf4: {  	v61 =	vld [tilespmem:s20+$0x188D0]  }
0xf5: {  	[tilespmem:s20+$0x188B0] =	vst v1  }
0xf6: {  	v0 =	vld.idx.msk [tilespmem:v60+s6+$0x0], $0xffff;
	_ =	sdelay $0x3  }
0xf7: {  	v62 =	vld [tilespmem:s20+$0x188E0]  }
0xf8: {  	[tilespmem:s20+$0x188C0] =	vst v0  }
0xf9: {  	v1 =	vld.idx.msk [tilespmem:v61+s6+$0x0], $0xffff;
	_ =	sdelay $0x3  }
0xfa: {  	v63 =	vld [tilespmem:s20+$0x188F0]  }
0xfb: {  	[tilespmem:s20+$0x188D0] =	vst v1  }
0xfc: {  	v0 =	vld.idx.msk [tilespmem:v62+s6+$0x0], $0xffff;
	_ =	sdelay $0x3  }
0xfd: {  	s29 =	sadd.s32 s5, s17  }
0xfe: {  	s19 =	sadd.s32 $0x1, s29;
	[tilespmem:s20+$0x188E0] =	vst v0  }
0xff: {  	s21 =	sshrl.u32 s19, $0x3;
	v0 =	vld.idx.msk [tilespmem:v63+s6+$0x0], $0xffff  }
0x100: {  	s22 =	sshll.u32 s19, $0x7;
	s21 =	smul.u32 $0xC3800, s21  }
0x101: {  	s22 =	sand.u32 $0x380, s22  }
0x102: {  	s21 =	sor.u32 s22, s21  }
0x103: {  	s30 =	sshll.u32 s29, $0x4;
	s21 =	sshrl.u32 s21, $0x3  }
0x104: {  	s18 =	sshll.u32 s29, $0xB;
	s21 =	sadd.s32 s1, s21;
	[tilespmem:s20+$0x188F0] =	vst v0;
	s20 =	sand.u32 $0x70, s30  }
0x105: {  	[tilespmem:s6], [sflag:$0x1] =	stream.strided.gather [hbm4b:s21+s11], $0x18700, s12, s11, $0x38;
	[tilespmem:$0x1C700] =	vst v63  }
0x106: {  	s18 =	sand.u32 $0xFFFC000, s18;
	s20 =	sadd.s32 s4, s20  }
0x107: {  	s31 =	sshll.u32 s19, $0xA;
	s19 =	sshll.u32 s19, $0x3;
	s18 =	sadd.s32 s18, s20  }
0x108: {  	[hbm4b:s18+s11] =	stream.strided.scatter [tilespmem:s13], [sflag:$0x2], $0x4000, s12, s11, $0x38;
	[tilespmem:$0x1C700] =	vst v63  }
0x109: {  	s19 =	sand.u32 $0x380, s19;
	s18 =	sand.u32 $0xFFFE0000, s31  }
0x10a: {  	s17 =	sadd.s32 $0x1, s17;
	_ =	swait.ge [sflag:s14], $0x4000;
	s18 =	sor.u32 s19, s18  }
0x10b: {  	p0 =	sne.s32 s17, $0xC;
	[sflag:s14] =	ssyncset.done $0x0;
	s18 =	sshrl.u32 s18, $0x3  }
.Ltmp1:
0x10c: {  	[sflag:s14] =	ssyncadd.s32 $0xFFFFC000;
	s18 =	sadd.s32 s3, s18;
	(pc) =	sbr.rel @p0 .LBB2_2-.Ltmp1, $4  }
0x10d: {  	[tilespmem:s13], [sflag:$0x2] =	stream.strided.gather [hbm4b:s18+s11], $0x4000, s12, s11, $0x38;
	[tilespmem:$0x1C700] =	vst v63  }
0x10e: {  	_ =	swait.ge [sflag:s14], $0x4000  }
0x10f: {  	[sflag:s14] =	ssyncset.done $0x0  }
0x110: {  	[sflag:s14] =	ssyncadd.s32 $0xFFFFC000  }
0x111: {  	_ =	swait.ge [sflag:s15], $0x18700  }
0x112: {  	[sflag:s15] =	ssyncset.done $0x0  }
0x113: {  	s17 =	simm.s32 $0x0;
	[sflag:s15] =	ssyncadd.s32 $0xFFFE7900  }
0x114: {  	v0 =	vld [tilespmem:s17+$0x18700];
	_ =	sdelay $0x5  }
0x115: {  	v1 =	vld [tilespmem:s17+$0x18710];
	_ =	sdelay $0x1  }
0x116: {  	v0 =	vld.idx.msk [tilespmem:v0+s6+$0x0], $0xffff;
	_ =	sdelay $0x4  }
0x117: {  	[tilespmem:s17+$0x18700] =	vst v0;
	v0 =	vld [tilespmem:s17+$0x18720]  }
0x118: {  	v1 =	vld.idx.msk [tilespmem:v1+s6+$0x0], $0xffff;
	_ =	sdelay $0x4  }
0x119: {  	[tilespmem:s17+$0x18710] =	vst v1;
	v1 =	vld [tilespmem:s17+$0x18730];
	_ =	sdelay $0x1  }
0x11a: {  	v0 =	vld.idx.msk [tilespmem:v0+s6+$0x0], $0xffff;
	_ =	sdelay $0x4  }
0x11b: {  	[tilespmem:s17+$0x18720] =	vst v0;
	v0 =	vld [tilespmem:s17+$0x18740]  }
0x11c: {  	v1 =	vld.idx.msk [tilespmem:v1+s6+$0x0], $0xffff;
	_ =	sdelay $0x4  }
0x11d: {  	[tilespmem:s17+$0x18730] =	vst v1;
	v1 =	vld [tilespmem:s17+$0x18750];
	_ =	sdelay $0x1  }
0x11e: {  	v0 =	vld.idx.msk [tilespmem:v0+s6+$0x0], $0xffff;
	_ =	sdelay $0x4  }
0x11f: {  	[tilespmem:s17+$0x18740] =	vst v0;
	v0 =	vld [tilespmem:s17+$0x18760]  }
0x120: {  	v1 =	vld.idx.msk [tilespmem:v1+s6+$0x0], $0xffff;
	_ =	sdelay $0x4  }
0x121: {  	[tilespmem:s17+$0x18750] =	vst v1;
	v1 =	vld [tilespmem:s17+$0x18770];
	_ =	sdelay $0x1  }
0x122: {  	v0 =	vld.idx.msk [tilespmem:v0+s6+$0x0], $0xffff;
	_ =	sdelay $0x4  }
0x123: {  	[tilespmem:s17+$0x18760] =	vst v0;
	v0 =	vld [tilespmem:s17+$0x18780]  }
0x124: {  	v1 =	vld.idx.msk [tilespmem:v1+s6+$0x0], $0xffff;
	_ =	sdelay $0x4  }
0x125: {  	[tilespmem:s17+$0x18770] =	vst v1;
	v1 =	vld [tilespmem:s17+$0x18790];
	_ =	sdelay $0x1  }
0x126: {  	v0 =	vld.idx.msk [tilespmem:v0+s6+$0x0], $0xffff;
	_ =	sdelay $0x4  }
0x127: {  	[tilespmem:s17+$0x18780] =	vst v0;
	v0 =	vld [tilespmem:s17+$0x187A0]  }
0x128: {  	v1 =	vld.idx.msk [tilespmem:v1+s6+$0x0], $0xffff;
	_ =	sdelay $0x4  }
0x129: {  	[tilespmem:s17+$0x18790] =	vst v1;
	v1 =	vld [tilespmem:s17+$0x187B0];
	_ =	sdelay $0x1  }
0x12a: {  	v0 =	vld.idx.msk [tilespmem:v0+s6+$0x0], $0xffff;
	_ =	sdelay $0x4  }
0x12b: {  	[tilespmem:s17+$0x187A0] =	vst v0;
	v0 =	vld [tilespmem:s17+$0x187C0]  }
0x12c: {  	v1 =	vld.idx.msk [tilespmem:v1+s6+$0x0], $0xffff;
	_ =	sdelay $0x4  }
0x12d: {  	[tilespmem:s17+$0x187B0] =	vst v1;
	v1 =	vld [tilespmem:s17+$0x187D0];
	_ =	sdelay $0x1  }
0x12e: {  	v0 =	vld.idx.msk [tilespmem:v0+s6+$0x0], $0xffff;
	_ =	sdelay $0x4  }
0x12f: {  	[tilespmem:s17+$0x187C0] =	vst v0;
	v0 =	vld [tilespmem:s17+$0x187E0]  }
0x130: {  	v1 =	vld.idx.msk [tilespmem:v1+s6+$0x0], $0xffff;
	_ =	sdelay $0x4  }
0x131: {  	[tilespmem:s17+$0x187D0] =	vst v1;
	v1 =	vld [tilespmem:s17+$0x187F0];
	_ =	sdelay $0x1  }
0x132: {  	v0 =	vld.idx.msk [tilespmem:v0+s6+$0x0], $0xffff;
	_ =	sdelay $0x4  }
0x133: {  	[tilespmem:s17+$0x187E0] =	vst v0;
	v0 =	vld [tilespmem:s17+$0x18800]  }
0x134: {  	v1 =	vld.idx.msk [tilespmem:v1+s6+$0x0], $0xffff;
	_ =	sdelay $0x4  }
0x135: {  	[tilespmem:s17+$0x187F0] =	vst v1;
	v1 =	vld [tilespmem:s17+$0x18810];
	_ =	sdelay $0x1  }
0x136: {  	v0 =	vld.idx.msk [tilespmem:v0+s6+$0x0], $0xffff;
	_ =	sdelay $0x4  }
0x137: {  	[tilespmem:s17+$0x18800] =	vst v0;
	v0 =	vld [tilespmem:s17+$0x18820]  }
0x138: {  	v1 =	vld.idx.msk [tilespmem:v1+s6+$0x0], $0xffff;
	_ =	sdelay $0x4  }
0x139: {  	[tilespmem:s17+$0x18810] =	vst v1;
	v1 =	vld [tilespmem:s17+$0x18830];
	_ =	sdelay $0x1  }
0x13a: {  	v0 =	vld.idx.msk [tilespmem:v0+s6+$0x0], $0xffff;
	_ =	sdelay $0x4  }
0x13b: {  	[tilespmem:s17+$0x18820] =	vst v0;
	v0 =	vld [tilespmem:s17+$0x18840]  }
0x13c: {  	v1 =	vld.idx.msk [tilespmem:v1+s6+$0x0], $0xffff;
	_ =	sdelay $0x4  }
0x13d: {  	[tilespmem:s17+$0x18830] =	vst v1;
	v1 =	vld [tilespmem:s17+$0x18850];
	_ =	sdelay $0x1  }
0x13e: {  	v0 =	vld.idx.msk [tilespmem:v0+s6+$0x0], $0xffff;
	_ =	sdelay $0x4  }
0x13f: {  	[tilespmem:s17+$0x18840] =	vst v0;
	v0 =	vld [tilespmem:s17+$0x18860]  }
0x140: {  	v1 =	vld.idx.msk [tilespmem:v1+s6+$0x0], $0xffff;
	_ =	sdelay $0x4  }
0x141: {  	[tilespmem:s17+$0x18850] =	vst v1;
	v1 =	vld [tilespmem:s17+$0x18870];
	_ =	sdelay $0x1  }
0x142: {  	v0 =	vld.idx.msk [tilespmem:v0+s6+$0x0], $0xffff;
	_ =	sdelay $0x4  }
0x143: {  	[tilespmem:s17+$0x18860] =	vst v0;
	v0 =	vld [tilespmem:s17+$0x18880]  }
0x144: {  	v1 =	vld.idx.msk [tilespmem:v1+s6+$0x0], $0xffff;
	_ =	sdelay $0x4  }
0x145: {  	[tilespmem:s17+$0x18870] =	vst v1;
	v1 =	vld [tilespmem:s17+$0x18890];
	_ =	sdelay $0x1  }
0x146: {  	v0 =	vld.idx.msk [tilespmem:v0+s6+$0x0], $0xffff;
	_ =	sdelay $0x4  }
0x147: {  	[tilespmem:s17+$0x18880] =	vst v0;
	v0 =	vld [tilespmem:s17+$0x188A0]  }
0x148: {  	v1 =	vld.idx.msk [tilespmem:v1+s6+$0x0], $0xffff;
	_ =	sdelay $0x4  }
0x149: {  	[tilespmem:s17+$0x18890] =	vst v1;
	v1 =	vld [tilespmem:s17+$0x188B0];
	_ =	sdelay $0x1  }
0x14a: {  	v0 =	vld.idx.msk [tilespmem:v0+s6+$0x0], $0xffff;
	_ =	sdelay $0x4  }
0x14b: {  	[tilespmem:s17+$0x188A0] =	vst v0;
	v0 =	vld [tilespmem:s17+$0x188C0]  }
0x14c: {  	v1 =	vld.idx.msk [tilespmem:v1+s6+$0x0], $0xffff;
	_ =	sdelay $0x4  }
0x14d: {  	[tilespmem:s17+$0x188B0] =	vst v1;
	v1 =	vld [tilespmem:s17+$0x188D0];
	_ =	sdelay $0x1  }
0x14e: {  	v0 =	vld.idx.msk [tilespmem:v0+s6+$0x0], $0xffff;
	_ =	sdelay $0x4  }
0x14f: {  	v2 =	vld [tilespmem:s17+$0x188E0];
	[tilespmem:s17+$0x188C0] =	vst v0  }
0x150: {  	v0 =	vld.idx.msk [tilespmem:v1+s6+$0x0], $0xffff;
	_ =	sdelay $0x4  }
0x151: {  	[tilespmem:s17+$0x188D0] =	vst v0;
	v0 =	vld [tilespmem:s17+$0x188F0];
	_ =	sdelay $0x1  }
0x152: {  	v1 =	vld.idx.msk [tilespmem:v2+s6+$0x0], $0xffff;
	_ =	sdelay $0x3  }
0x153: {  	s19 =	simm.s32 $0x200;
	s18 =	simm.s32 $0x1000  }
.LBB2_6:
0x154: {  	p0 =	sne.s32 s18, $0xF800;
	v2 =	vld [tilespmem:s19+$0x18700];
	[tilespmem:s17+$0x188E0] =	vst v1  }
0x155: {  	v0 =	vld.idx.msk [tilespmem:v0+s6+$0x0], $0xffff;
	_ =	sdelay $0x5  }
0x156: {  	v1 =	vld [tilespmem:s19+$0x18710];
	[tilespmem:s17+$0x188F0] =	vst v0;
	s17 =	smov.u32 s19  }
0x157: {  	v0 =	vld.idx.msk [tilespmem:v2+s6+$0x0], $0xffff;
	_ =	sdelay $0x5  }
0x158: {  	[tilespmem:s17+$0x18700] =	vst v0;
	v0 =	vld [tilespmem:s17+$0x18720]  }
0x159: {  	v1 =	vld.idx.msk [tilespmem:v1+s6+$0x0], $0xffff;
	_ =	sdelay $0x5  }
0x15a: {  	[tilespmem:s17+$0x18710] =	vst v1;
	v1 =	vld [tilespmem:s17+$0x18730]  }
0x15b: {  	v0 =	vld.idx.msk [tilespmem:v0+s6+$0x0], $0xffff;
	_ =	sdelay $0x5  }
0x15c: {  	[tilespmem:s17+$0x18720] =	vst v0;
	v0 =	vld [tilespmem:s17+$0x18740]  }
0x15d: {  	v1 =	vld.idx.msk [tilespmem:v1+s6+$0x0], $0xffff;
	_ =	sdelay $0x5  }
0x15e: {  	[tilespmem:s17+$0x18730] =	vst v1;
	v1 =	vld [tilespmem:s17+$0x18750]  }
0x15f: {  	v0 =	vld.idx.msk [tilespmem:v0+s6+$0x0], $0xffff;
	_ =	sdelay $0x5  }
0x160: {  	[tilespmem:s17+$0x18740] =	vst v0;
	v0 =	vld [tilespmem:s17+$0x18760]  }
0x161: {  	v1 =	vld.idx.msk [tilespmem:v1+s6+$0x0], $0xffff;
	_ =	sdelay $0x5  }
0x162: {  	[tilespmem:s17+$0x18750] =	vst v1;
	v1 =	vld [tilespmem:s17+$0x18770]  }
0x163: {  	v0 =	vld.idx.msk [tilespmem:v0+s6+$0x0], $0xffff;
	_ =	sdelay $0x5  }
0x164: {  	[tilespmem:s17+$0x18760] =	vst v0;
	v0 =	vld [tilespmem:s17+$0x18780]  }
0x165: {  	v1 =	vld.idx.msk [tilespmem:v1+s6+$0x0], $0xffff;
	_ =	sdelay $0x5  }
0x166: {  	[tilespmem:s17+$0x18770] =	vst v1;
	v1 =	vld [tilespmem:s17+$0x18790]  }
0x167: {  	v0 =	vld.idx.msk [tilespmem:v0+s6+$0x0], $0xffff;
	_ =	sdelay $0x5  }
0x168: {  	[tilespmem:s17+$0x18780] =	vst v0;
	v0 =	vld [tilespmem:s17+$0x187A0]  }
0x169: {  	v1 =	vld.idx.msk [tilespmem:v1+s6+$0x0], $0xffff;
	_ =	sdelay $0x5  }
0x16a: {  	[tilespmem:s17+$0x18790] =	vst v1;
	v1 =	vld [tilespmem:s17+$0x187B0]  }
0x16b: {  	v0 =	vld.idx.msk [tilespmem:v0+s6+$0x0], $0xffff;
	_ =	sdelay $0x5  }
0x16c: {  	[tilespmem:s17+$0x187A0] =	vst v0;
	v0 =	vld [tilespmem:s17+$0x187C0]  }
0x16d: {  	v1 =	vld.idx.msk [tilespmem:v1+s6+$0x0], $0xffff;
	_ =	sdelay $0x5  }
0x16e: {  	[tilespmem:s17+$0x187B0] =	vst v1;
	v1 =	vld [tilespmem:s17+$0x187D0]  }
0x16f: {  	v0 =	vld.idx.msk [tilespmem:v0+s6+$0x0], $0xffff;
	_ =	sdelay $0x5  }
0x170: {  	[tilespmem:s17+$0x187C0] =	vst v0;
	v0 =	vld [tilespmem:s17+$0x187E0]  }
0x171: {  	v1 =	vld.idx.msk [tilespmem:v1+s6+$0x0], $0xffff;
	_ =	sdelay $0x5  }
0x172: {  	[tilespmem:s17+$0x187D0] =	vst v1;
	v1 =	vld [tilespmem:s17+$0x187F0]  }
0x173: {  	v0 =	vld.idx.msk [tilespmem:v0+s6+$0x0], $0xffff;
	_ =	sdelay $0x5  }
0x174: {  	[tilespmem:s17+$0x187E0] =	vst v0;
	v0 =	vld [tilespmem:s17+$0x18800]  }
0x175: {  	v1 =	vld.idx.msk [tilespmem:v1+s6+$0x0], $0xffff;
	_ =	sdelay $0x5  }
0x176: {  	[tilespmem:s17+$0x187F0] =	vst v1;
	v1 =	vld [tilespmem:s17+$0x18810]  }
0x177: {  	v0 =	vld.idx.msk [tilespmem:v0+s6+$0x0], $0xffff;
	_ =	sdelay $0x5  }
0x178: {  	[tilespmem:s17+$0x18800] =	vst v0;
	v0 =	vld [tilespmem:s17+$0x18820]  }
0x179: {  	v1 =	vld.idx.msk [tilespmem:v1+s6+$0x0], $0xffff;
	_ =	sdelay $0x5  }
0x17a: {  	[tilespmem:s17+$0x18810] =	vst v1;
	v1 =	vld [tilespmem:s17+$0x18830]  }
0x17b: {  	v0 =	vld.idx.msk [tilespmem:v0+s6+$0x0], $0xffff;
	_ =	sdelay $0x5  }
0x17c: {  	[tilespmem:s17+$0x18820] =	vst v0;
	v0 =	vld [tilespmem:s17+$0x18840]  }
0x17d: {  	v1 =	vld.idx.msk [tilespmem:v1+s6+$0x0], $0xffff;
	_ =	sdelay $0x5  }
0x17e: {  	[tilespmem:s17+$0x18830] =	vst v1;
	v1 =	vld [tilespmem:s17+$0x18850]  }
0x17f: {  	v0 =	vld.idx.msk [tilespmem:v0+s6+$0x0], $0xffff;
	_ =	sdelay $0x5  }
0x180: {  	[tilespmem:s17+$0x18840] =	vst v0;
	v0 =	vld [tilespmem:s17+$0x18860]  }
0x181: {  	v1 =	vld.idx.msk [tilespmem:v1+s6+$0x0], $0xffff;
	_ =	sdelay $0x5  }
0x182: {  	[tilespmem:s17+$0x18850] =	vst v1;
	v1 =	vld [tilespmem:s17+$0x18870]  }
0x183: {  	v0 =	vld.idx.msk [tilespmem:v0+s6+$0x0], $0xffff;
	_ =	sdelay $0x5  }
0x184: {  	[tilespmem:s17+$0x18860] =	vst v0;
	v0 =	vld [tilespmem:s17+$0x18880]  }
0x185: {  	v1 =	vld.idx.msk [tilespmem:v1+s6+$0x0], $0xffff;
	_ =	sdelay $0x5  }
0x186: {  	[tilespmem:s17+$0x18870] =	vst v1;
	v1 =	vld [tilespmem:s17+$0x18890]  }
0x187: {  	v0 =	vld.idx.msk [tilespmem:v0+s6+$0x0], $0xffff;
	_ =	sdelay $0x5  }
0x188: {  	[tilespmem:s17+$0x18880] =	vst v0;
	v0 =	vld [tilespmem:s17+$0x188A0]  }
0x189: {  	v1 =	vld.idx.msk [tilespmem:v1+s6+$0x0], $0xffff;
	_ =	sdelay $0x5  }
0x18a: {  	[tilespmem:s17+$0x18890] =	vst v1;
	v1 =	vld [tilespmem:s17+$0x188B0]  }
0x18b: {  	v0 =	vld.idx.msk [tilespmem:v0+s6+$0x0], $0xffff;
	_ =	sdelay $0x5  }
0x18c: {  	[tilespmem:s17+$0x188A0] =	vst v0;
	v0 =	vld [tilespmem:s17+$0x188C0]  }
0x18d: {  	v1 =	vld.idx.msk [tilespmem:v1+s6+$0x0], $0xffff;
	_ =	sdelay $0x5  }
0x18e: {  	[tilespmem:s17+$0x188B0] =	vst v1;
	v1 =	vld [tilespmem:s17+$0x188D0]  }
0x18f: {  	v0 =	vld.idx.msk [tilespmem:v0+s6+$0x0], $0xffff;
	_ =	sdelay $0x5  }
0x190: {  	[tilespmem:s17+$0x188C0] =	vst v0;
	v2 =	vld [tilespmem:s17+$0x188E0]  }
0x191: {  	v0 =	vld.idx.msk [tilespmem:v1+s6+$0x0], $0xffff;
	_ =	sdelay $0x5  }
0x192: {  	[tilespmem:s17+$0x188D0] =	vst v0;
	v0 =	vld [tilespmem:s17+$0x188F0]  }
0x193: {  	v1 =	vld.idx.msk [tilespmem:v2+s6+$0x0], $0xffff  }
.Ltmp2:
0x194: {  	(pc) =	sbr.rel @p0 .LBB2_6-.Ltmp2, $2  }
0x195: {  	_ =	sdelay $0x2  }
0x196: {  	s19 =	sshra.s32 s18, $0x2;
	s18 =	sadd.s32 $0x800, s18  }
0x197: {  	_ =	sdelay $0x1  }
0x198: {  	v2 =	vld [tilespmem:s19+$0x18700]  }
0x199: {  	[tilespmem:s17+$0x188E0] =	vst v1  }
0x19a: {  	v0 =	vld.idx.msk [tilespmem:v0+s6+$0x0], $0xffff;
	_ =	sdelay $0x3  }
0x19b: {  	v1 =	vld [tilespmem:s19+$0x18710]  }
0x19c: {  	[tilespmem:s17+$0x188F0] =	vst v0  }
0x19d: {  	v0 =	vld.idx.msk [tilespmem:v2+s6+$0x0], $0xffff;
	_ =	sdelay $0x3  }
0x19e: {  	v34 =	vld [tilespmem:s19+$0x18720]  }
0x19f: {  	[tilespmem:s19+$0x18700] =	vst v0  }
0x1a0: {  	v1 =	vld.idx.msk [tilespmem:v1+s6+$0x0], $0xffff;
	_ =	sdelay $0x3  }
0x1a1: {  	v35 =	vld [tilespmem:s19+$0x18730]  }
0x1a2: {  	[tilespmem:s19+$0x18710] =	vst v1  }
0x1a3: {  	v0 =	vld.idx.msk [tilespmem:v34+s6+$0x0], $0xffff;
	_ =	sdelay $0x3  }
0x1a4: {  	v36 =	vld [tilespmem:s19+$0x18740]  }
0x1a5: {  	[tilespmem:s19+$0x18720] =	vst v0  }
0x1a6: {  	v1 =	vld.idx.msk [tilespmem:v35+s6+$0x0], $0xffff;
	_ =	sdelay $0x3  }
0x1a7: {  	v37 =	vld [tilespmem:s19+$0x18750]  }
0x1a8: {  	[tilespmem:s19+$0x18730] =	vst v1  }
0x1a9: {  	v0 =	vld.idx.msk [tilespmem:v36+s6+$0x0], $0xffff;
	_ =	sdelay $0x3  }
0x1aa: {  	v38 =	vld [tilespmem:s19+$0x18760]  }
0x1ab: {  	[tilespmem:s19+$0x18740] =	vst v0  }
0x1ac: {  	v1 =	vld.idx.msk [tilespmem:v37+s6+$0x0], $0xffff;
	_ =	sdelay $0x3  }
0x1ad: {  	v39 =	vld [tilespmem:s19+$0x18770]  }
0x1ae: {  	[tilespmem:s19+$0x18750] =	vst v1  }
0x1af: {  	v0 =	vld.idx.msk [tilespmem:v38+s6+$0x0], $0xffff;
	_ =	sdelay $0x3  }
0x1b0: {  	v40 =	vld [tilespmem:s19+$0x18780]  }
0x1b1: {  	[tilespmem:s19+$0x18760] =	vst v0  }
0x1b2: {  	v1 =	vld.idx.msk [tilespmem:v39+s6+$0x0], $0xffff;
	_ =	sdelay $0x3  }
0x1b3: {  	v41 =	vld [tilespmem:s19+$0x18790]  }
0x1b4: {  	[tilespmem:s19+$0x18770] =	vst v1  }
0x1b5: {  	v0 =	vld.idx.msk [tilespmem:v40+s6+$0x0], $0xffff;
	_ =	sdelay $0x3  }
0x1b6: {  	v42 =	vld [tilespmem:s19+$0x187A0]  }
0x1b7: {  	[tilespmem:s19+$0x18780] =	vst v0  }
0x1b8: {  	v1 =	vld.idx.msk [tilespmem:v41+s6+$0x0], $0xffff;
	_ =	sdelay $0x3  }
0x1b9: {  	v43 =	vld [tilespmem:s19+$0x187B0]  }
0x1ba: {  	[tilespmem:s19+$0x18790] =	vst v1  }
0x1bb: {  	v0 =	vld.idx.msk [tilespmem:v42+s6+$0x0], $0xffff;
	_ =	sdelay $0x3  }
0x1bc: {  	v44 =	vld [tilespmem:s19+$0x187C0]  }
0x1bd: {  	[tilespmem:s19+$0x187A0] =	vst v0  }
0x1be: {  	v1 =	vld.idx.msk [tilespmem:v43+s6+$0x0], $0xffff;
	_ =	sdelay $0x3  }
0x1bf: {  	v45 =	vld [tilespmem:s19+$0x187D0]  }
0x1c0: {  	[tilespmem:s19+$0x187B0] =	vst v1  }
0x1c1: {  	v0 =	vld.idx.msk [tilespmem:v44+s6+$0x0], $0xffff;
	_ =	sdelay $0x3  }
0x1c2: {  	v46 =	vld [tilespmem:s19+$0x187E0]  }
0x1c3: {  	[tilespmem:s19+$0x187C0] =	vst v0  }
0x1c4: {  	v1 =	vld.idx.msk [tilespmem:v45+s6+$0x0], $0xffff;
	_ =	sdelay $0x3  }
0x1c5: {  	v47 =	vld [tilespmem:s19+$0x187F0]  }
0x1c6: {  	[tilespmem:s19+$0x187D0] =	vst v1  }
0x1c7: {  	v0 =	vld.idx.msk [tilespmem:v46+s6+$0x0], $0xffff;
	_ =	sdelay $0x3  }
0x1c8: {  	v48 =	vld [tilespmem:s19+$0x18800]  }
0x1c9: {  	[tilespmem:s19+$0x187E0] =	vst v0  }
0x1ca: {  	v1 =	vld.idx.msk [tilespmem:v47+s6+$0x0], $0xffff;
	_ =	sdelay $0x3  }
0x1cb: {  	v49 =	vld [tilespmem:s19+$0x18810]  }
0x1cc: {  	[tilespmem:s19+$0x187F0] =	vst v1  }
0x1cd: {  	v0 =	vld.idx.msk [tilespmem:v48+s6+$0x0], $0xffff;
	_ =	sdelay $0x3  }
0x1ce: {  	v50 =	vld [tilespmem:s19+$0x18820]  }
0x1cf: {  	[tilespmem:s19+$0x18800] =	vst v0  }
0x1d0: {  	v1 =	vld.idx.msk [tilespmem:v49+s6+$0x0], $0xffff;
	_ =	sdelay $0x3  }
0x1d1: {  	v51 =	vld [tilespmem:s19+$0x18830]  }
0x1d2: {  	[tilespmem:s19+$0x18810] =	vst v1  }
0x1d3: {  	v0 =	vld.idx.msk [tilespmem:v50+s6+$0x0], $0xffff;
	_ =	sdelay $0x3  }
0x1d4: {  	v52 =	vld [tilespmem:s19+$0x18840]  }
0x1d5: {  	[tilespmem:s19+$0x18820] =	vst v0  }
0x1d6: {  	v1 =	vld.idx.msk [tilespmem:v51+s6+$0x0], $0xffff;
	_ =	sdelay $0x3  }
0x1d7: {  	v53 =	vld [tilespmem:s19+$0x18850]  }
0x1d8: {  	[tilespmem:s19+$0x18830] =	vst v1  }
0x1d9: {  	v0 =	vld.idx.msk [tilespmem:v52+s6+$0x0], $0xffff;
	_ =	sdelay $0x3  }
0x1da: {  	v54 =	vld [tilespmem:s19+$0x18860]  }
0x1db: {  	[tilespmem:s19+$0x18840] =	vst v0  }
0x1dc: {  	v1 =	vld.idx.msk [tilespmem:v53+s6+$0x0], $0xffff;
	_ =	sdelay $0x3  }
0x1dd: {  	v55 =	vld [tilespmem:s19+$0x18870]  }
0x1de: {  	[tilespmem:s19+$0x18850] =	vst v1  }
0x1df: {  	v0 =	vld.idx.msk [tilespmem:v54+s6+$0x0], $0xffff;
	_ =	sdelay $0x3  }
0x1e0: {  	v56 =	vld [tilespmem:s19+$0x18880]  }
0x1e1: {  	[tilespmem:s19+$0x18860] =	vst v0  }
0x1e2: {  	v1 =	vld.idx.msk [tilespmem:v55+s6+$0x0], $0xffff;
	_ =	sdelay $0x3  }
0x1e3: {  	v57 =	vld [tilespmem:s19+$0x18890]  }
0x1e4: {  	[tilespmem:s19+$0x18870] =	vst v1  }
0x1e5: {  	v0 =	vld.idx.msk [tilespmem:v56+s6+$0x0], $0xffff;
	_ =	sdelay $0x3  }
0x1e6: {  	v58 =	vld [tilespmem:s19+$0x188A0]  }
0x1e7: {  	[tilespmem:s19+$0x18880] =	vst v0  }
0x1e8: {  	v1 =	vld.idx.msk [tilespmem:v57+s6+$0x0], $0xffff;
	_ =	sdelay $0x3  }
0x1e9: {  	v59 =	vld [tilespmem:s19+$0x188B0]  }
0x1ea: {  	[tilespmem:s19+$0x18890] =	vst v1  }
0x1eb: {  	v0 =	vld.idx.msk [tilespmem:v58+s6+$0x0], $0xffff;
	_ =	sdelay $0x3  }
0x1ec: {  	v60 =	vld [tilespmem:s19+$0x188C0]  }
0x1ed: {  	[tilespmem:s19+$0x188A0] =	vst v0  }
0x1ee: {  	v1 =	vld.idx.msk [tilespmem:v59+s6+$0x0], $0xffff;
	_ =	sdelay $0x3  }
0x1ef: {  	v61 =	vld [tilespmem:s19+$0x188D0]  }
0x1f0: {  	[tilespmem:s19+$0x188B0] =	vst v1  }
0x1f1: {  	v0 =	vld.idx.msk [tilespmem:v60+s6+$0x0], $0xffff;
	_ =	sdelay $0x3  }
0x1f2: {  	v62 =	vld [tilespmem:s19+$0x188E0]  }
0x1f3: {  	[tilespmem:s19+$0x188C0] =	vst v0  }
0x1f4: {  	v1 =	vld.idx.msk [tilespmem:v61+s6+$0x0], $0xffff;
	_ =	sdelay $0x3  }
0x1f5: {  	v63 =	vld [tilespmem:s19+$0x188F0]  }
0x1f6: {  	[tilespmem:s19+$0x188D0] =	vst v1  }
0x1f7: {  	v0 =	vld.idx.msk [tilespmem:v62+s6+$0x0], $0xffff;
	_ =	sdelay $0x4  }
0x1f8: {  	[tilespmem:s19+$0x188E0] =	vst v0  }
0x1f9: {  	v0 =	vld.idx.msk [tilespmem:v63+s6+$0x0], $0xffff;
	_ =	sdelay $0x2  }
0x1fa: {  	s16 =	sadd.s32 $0x1, s16  }
0x1fb: {  	p0 =	sne.s32 s16, s10  }
.Ltmp3:
0x1fc: {  	[tilespmem:s19+$0x188F0] =	vst v0;
	(pc) =	sbr.rel @p0 .LBB2_1-.Ltmp3, $4  }
0x1fd: {  	[hbm4b:s9+s11] =	stream.strided.scatter [tilespmem:s13], [sflag:$0x2], $0x4000, s12, s11, $0x38;
	[tilespmem:$0x1C700] =	vst v63  }
0x1fe: {  	_ =	swait.ge [sflag:s14], $0x4000  }
0x1ff: {  	[sflag:s14] =	ssyncset.done $0x0  }
0x200: {  	[sflag:s14] =	ssyncadd.s32 $0xFFFFC000  }
0x201: {  	_ =	sfence.sel $0x180000  }
0x202: {  	[bflag:$0x0] =	sbarrier.arrive $0xFFFF  }
0x203: {  	p0 =	sne.s32 s0, $0x0;
	_ =	strace $0x90000047  }
0x204: {  	s0 =	sadd.s32 @!p0 $0x100000, s2;
	[bflag:$0x2] =	sbarrier.arrive $0xFFFF  }
0x205: {  	[sflag:s0] =	ssyncadd.tile.s32 @!p0 $0x1;
	_ =	shalt  }
.Lfunc_end2:
_tile_overlayer_lowered:
.L_overlay_start_2:
0x206: {  	(tag) =	ssettag $0x2  }
0x207: {  	s0 =	rddreg [dreg:$0x0];
	s2 =	stileid.u32  }
0x208: {  	s1 =	rddreg [dreg:$0x1];
	p0 =	sne.s32 s2, $0x0  }
0x209: {  	s3 =	rddreg [dreg:$0x2];
	[bflag:$0x3] =	sbarrier.arrive $0xFFFF;
	s2 =	simm.s32 @!p0 $0x1C02  }
0x20a: {  	[timem:s3], [sflag:s2] =	dma.local @!p0 [hbm:s0], s1  }
0x20b: {  	s0 =	simm.s32 @!p0 $0x2  }
0x20c: {  	_ =	swait.ge @!p0 [sflag:s0], s1  }
0x20d: {  	s1 =	ssub.s32 @!p0 $0x0, s1;
	[sflag:s0] =	ssyncset.done @!p0 $0x0  }
0x20e: {  	[sflag:s0] =	ssyncadd.s32 @!p0 s1  }
0x20f: {  	[bflag:$0x3] =	sbarrier.arrive $0xFFFF  }
0x210: {  	_ =	shalt  }

</sc_bundles>
